<compile_context>
chip_gen: v7x
topology: tpu7x:2x2x1
jax: 0.10.2.dev20260603
libtpu: 0.0.44.dev20260713+nightly
codegen_flags: <defaults>
</compile_context>

<pallas_src>
import jax
import jax.numpy as jnp
from jax import lax
from jax.experimental import pallas as pl
from jax.experimental.pallas import tpu as pltpu
from jax.experimental.pallas import tpu_sc as plsc

NC = 2
NS = 16
NW = NC * NS
CHUNK = 128
BR = 1000
L = 16


def _i0(*_):
    return jnp.int32(0)


def _elu(x):
    return jnp.where(x > 0, x, jnp.exp(x) - 1.0)


def _make_sc_aggregate(n_pad, d, k0, k1):
    rpt = n_pad // NS
    kmax = max(k0, k1)
    mesh = plsc.VectorSubcoreMesh(
        core_axis_name="c", subcore_axis_name="s", num_cores=NC, num_subcores=NS
    )

    def body(row_hbm, col_hbm, wh_hbm, zacc_hbm, acc_out, rix, cix, gbuf, acc_sh):
        c = lax.axis_index("c")
        s = lax.axis_index("s")
        wid = c * NS + s
        kc = jnp.where(c == jnp.int32(0), jnp.int32(k0), jnp.int32(k1))
        pltpu.sync_copy(row_hbm.at[wid], rix)
        pltpu.sync_copy(col_hbm.at[wid], cix)
        pltpu.sync_copy(zacc_hbm, acc_sh.at[pl.ds(s * rpt, rpt)])
        plsc.subcore_barrier()

        def chunk_step(j, carry):
            pltpu.sync_copy(wh_hbm.at[cix.at[j]], gbuf)
            pltpu.sync_copy(gbuf, acc_sh.at[rix.at[j]], add=True)
            return carry

        lax.fori_loop(jnp.int32(0), kc, chunk_step, jnp.int32(0))
        plsc.subcore_barrier()
        pltpu.sync_copy(acc_sh.at[pl.ds(s * rpt, rpt)],
                        acc_out.at[c, pl.ds(s * rpt, rpt)])

    return pl.kernel(
        body,
        out_type=[jax.ShapeDtypeStruct((NC, n_pad, d), jnp.float32)],
        mesh=mesh,
        scratch_types=[
            pltpu.VMEM((kmax, CHUNK), jnp.int32),
            pltpu.VMEM((kmax, CHUNK), jnp.int32),
            pltpu.VMEM((CHUNK, d), jnp.float32),
            pltpu.VMEM_SHARED((n_pad, d), jnp.float32),
        ],
    )


def _mm_body(x_ref, w_ref, o_ref):
    o_ref[...] = jnp.dot(x_ref[...], w_ref[...],
                         preferred_element_type=jnp.float32)


def _matmul(xx, w):
    n, d = xx.shape
    return pl.pallas_call(
        _mm_body,
        grid=(n // BR,),
        in_specs=[pl.BlockSpec((BR, d), lambda i: (i, _i0())),
                  pl.BlockSpec((d, d), lambda i: (_i0(), _i0()))],
        out_specs=pl.BlockSpec((BR, d), lambda i: (i, _i0())),
        out_shape=jax.ShapeDtypeStruct((n, d), jnp.float32),
    )(xx, w)


EB = 8192


def _hist_body(r_ref, c_ref):
    r = r_ref[...]
    hi = lax.div(r, jnp.int32(128))
    lo = r - hi * jnp.int32(128)
    io = lax.broadcasted_iota(jnp.int32, (128, EB), 0)
    mhi = (hi == io).astype(jnp.float32)
    mlo = (lo == io).astype(jnp.float32)

    @pl.when(pl.program_id(0) == 0)
    def _():
        c_ref[...] = jnp.zeros_like(c_ref)

    c_ref[...] += lax.dot_general(mhi, mlo, (((1,), (1,)), ((), ())),
                                  preferred_element_type=jnp.float32)


def _tc_degree(row_h):
    eh = row_h.shape[1]
    return pl.pallas_call(
        _hist_body,
        grid=(eh // EB,),
        in_specs=[pl.BlockSpec((1, EB), lambda i: (_i0(), i))],
        out_specs=pl.BlockSpec((128, 128), lambda i: (_i0(), _i0())),
        out_shape=jax.ShapeDtypeStruct((128, 128), jnp.float32),
    )(row_h)


def _deg_of(deg_ref):
    return deg_ref[...] + 1.0


def _combine0_body(acc_ref, wh_ref, deg_ref, h_ref, s1_ref, s2_ref):
    deg = _deg_of(deg_ref)
    sval = (acc_ref[0] + acc_ref[1] + wh_ref[...]) / deg
    h = _elu(sval)
    h_ref[...] = h

    @pl.when(pl.program_id(0) == 0)
    def _():
        s1_ref[...] = jnp.zeros_like(s1_ref)
        s2_ref[...] = jnp.zeros_like(s2_ref)

    s1_ref[...] += jnp.sum(h, axis=0, keepdims=True)
    s2_ref[...] += jnp.sum(h * h, axis=0, keepdims=True)


def _combine0(acc, wh, deg, n, d):
    return pl.pallas_call(
        _combine0_body,
        grid=(n // BR,),
        in_specs=[pl.BlockSpec((NC, BR, d), lambda i: (_i0(), i, _i0())),
                  pl.BlockSpec((BR, d), lambda i: (i, _i0())),
                  pl.BlockSpec((BR, 1), lambda i: (i, _i0()))],
        out_specs=[pl.BlockSpec((BR, d), lambda i: (i, _i0())),
                   pl.BlockSpec((1, d), lambda i: (_i0(), _i0())),
                   pl.BlockSpec((1, d), lambda i: (_i0(), _i0()))],
        out_shape=[jax.ShapeDtypeStruct((n, d), jnp.float32),
                   jax.ShapeDtypeStruct((1, d), jnp.float32),
                   jax.ShapeDtypeStruct((1, d), jnp.float32)],
    )(acc, wh, deg)


def _make_bn_mm_body(n):
    def body(h_ref, s1_ref, s2_ref, g_ref, b_ref, w_ref, o_ref):
        mean = s1_ref[...] / n
        var = s2_ref[...] / n - mean * mean
        scale = g_ref[...] * lax.rsqrt(var + 1e-5)
        hn = jnp.maximum((h_ref[...] - mean) * scale + b_ref[...], 0.0)
        o_ref[...] = jnp.dot(hn, w_ref[...],
                             preferred_element_type=jnp.float32)
    return body


def _bn_mm(h, s1, s2, g, b, w):
    n, d = h.shape
    return pl.pallas_call(
        _make_bn_mm_body(float(n)),
        grid=(n // BR,),
        in_specs=[pl.BlockSpec((BR, d), lambda i: (i, _i0())),
                  pl.BlockSpec((1, d), lambda i: (_i0(), _i0())),
                  pl.BlockSpec((1, d), lambda i: (_i0(), _i0())),
                  pl.BlockSpec((1, d), lambda i: (_i0(), _i0())),
                  pl.BlockSpec((1, d), lambda i: (_i0(), _i0())),
                  pl.BlockSpec((d, d), lambda i: (_i0(), _i0()))],
        out_specs=pl.BlockSpec((BR, d), lambda i: (i, _i0())),
        out_shape=jax.ShapeDtypeStruct((n, d), jnp.float32),
    )(h, s1, s2, g, b, w)


def _combine1_body(acc_ref, wh_ref, deg_ref, o_ref):
    deg = _deg_of(deg_ref)
    o_ref[...] = _elu((acc_ref[0] + acc_ref[1] + wh_ref[...]) / deg)


def _combine1(acc, wh, deg, n, d):
    return pl.pallas_call(
        _combine1_body,
        grid=(n // BR,),
        in_specs=[pl.BlockSpec((NC, BR, d), lambda i: (_i0(), i, _i0())),
                  pl.BlockSpec((BR, d), lambda i: (i, _i0())),
                  pl.BlockSpec((BR, 1), lambda i: (i, _i0()))],
        out_specs=pl.BlockSpec((BR, d), lambda i: (i, _i0())),
        out_shape=jax.ShapeDtypeStruct((n, d), jnp.float32),
    )(acc, wh, deg)


def kernel(x, edge_index, W0, W1, bn0_gamma, bn0_beta):
    n, d = x.shape
    e = edge_index.shape[1]
    row = edge_index[0].astype(jnp.int32)
    col = edge_index[1].astype(jnp.int32)

    R0 = 0.59
    tot = -(-e // CHUNK)
    k0 = max(1, min(tot // NS, round(R0 * tot / NS)))
    k1 = max(1, -(-(tot - NS * k0) // NS))
    kmax = max(k0, k1)
    cap0 = NS * k0 * CHUNK
    cap1 = NS * k1 * CHUNK
    padn = cap0 + cap1 - e
    rowp = jnp.concatenate([row, jnp.full((padn,), n, jnp.int32)])
    colp = jnp.concatenate([col, jnp.zeros((padn,), jnp.int32)])

    def _split(a, fill):
        a0 = a[:cap0].reshape(NS, k0, CHUNK)
        a1 = a[cap0:].reshape(NS, k1, CHUNK)
        a0 = jnp.pad(a0, ((0, 0), (0, kmax - k0), (0, 0)), constant_values=fill)
        a1 = jnp.pad(a1, ((0, 0), (0, kmax - k1), (0, 0)), constant_values=fill)
        return jnp.concatenate([a0, a1], axis=0)

    row3 = _split(rowp, n)
    col3 = _split(colp, 0)

    gran = NS * 8
    n_pad = ((n + 1 + gran - 1) // gran) * gran
    rpt = n_pad // NS
    zacc = jnp.zeros((rpt, d), jnp.float32)

    sc_agg = _make_sc_aggregate(n_pad, d, k0, k1)

    eh = -(-e // EB) * EB
    row_h = jnp.concatenate([row, jnp.full((eh - e,), n, jnp.int32)]
                            ).reshape(1, eh)
    wh0 = _matmul(x.astype(jnp.float32), W0)
    (acc0,) = sc_agg(row3, col3, wh0, zacc)
    deg = _tc_degree(row_h).reshape(128 * 128, 1)
    h, s1, s2 = _combine0(acc0, wh0, deg, n, d)
    wh1 = _bn_mm(h, s1, s2, bn0_gamma.reshape(1, d), bn0_beta.reshape(1, d), W1)
    (acc1,) = sc_agg(row3, col3, wh1, zacc)
    return _combine1(acc1, wh1, deg, n, d)

# --- scband reference (transcript-rebuilt; emitter-appended) ---
"""Pipeline reference for scband-gnn-14817637171441 (READ-ONLY COPY).

The authoritative reference and input builder live on the scoring server;
editing this copy changes nothing except your own understanding.
"""

import jax
jax.config.update('jax_enable_x64', True)
import jax.numpy as jnp
import numpy as np

N = 10000
E = 320000
D = 128


def _xavier_uniform(key, fan_in, fan_out, gain=1.414):
    lim = gain * np.sqrt(6.0 / (fan_in + fan_out))
    return jax.random.uniform(key, (fan_in, fan_out), minval=-lim, maxval=lim, dtype=jnp.float32)


def setup_inputs(seed: int = 0) -> dict:
    key = jax.random.key(seed)
    k1, k2, k3, k4, k5 = jax.random.split(key, 5)
    x = jax.random.normal(k1, (N, D), dtype=jnp.float32)
    # edge_index with no self loops so that fill_diag(adj, 1.0) == appending self-loop edges
    row = jax.random.randint(k2, (E,), 0, N)
    off = jax.random.randint(k3, (E,), 1, N)
    col = (row + off) % N
    edge_index = jnp.stack([row, col]).astype(jnp.int64)
    W0 = _xavier_uniform(k4, D, D)
    W1 = _xavier_uniform(k5, D, D)
    bn0_gamma = jnp.ones((D,), dtype=jnp.float32)
    bn0_beta = jnp.zeros((D,), dtype=jnp.float32)
    return {"x": x, "edge_index": edge_index, "W0": W0, "W1": W1,
            "bn0_gamma": bn0_gamma, "bn0_beta": bn0_beta}


def _gat_constant_layer(h, row, col, W, n_nodes):
    # Wh = h @ W
    Wh = h @ W
    # mechanism='constant': e = adj (all values 1.0, incl. self loops)
    val = jnp.ones(row.shape[0], dtype=h.dtype)
    # row-wise softmax over sparse values
    rowmax = jax.ops.segment_max(val, row, num_segments=n_nodes)
    v = jnp.exp(val - rowmax[row])
    rowsum = jax.ops.segment_sum(v, row, num_segments=n_nodes)
    attn = v / rowsum[row]
    # h_prime = sparse(attn) @ Wh  -> gather cols, scatter-add into rows
    h_prime = jax.ops.segment_sum(attn[:, None] * Wh[col], row, num_segments=n_nodes)
    # concat=True -> elu
    return jax.nn.elu(h_prime)


def reference(x, edge_index, W0, W1, bn0_gamma, bn0_beta):
    n_nodes = x.shape[0]
    row = edge_index[0]
    col = edge_index[1]
    # SparseTensor.fill_diag(adj, 1.0): append self loops with value 1
    sl = jnp.arange(n_nodes, dtype=row.dtype)
    row = jnp.concatenate([row, sl])
    col = jnp.concatenate([col, sl])
    # layer 0
    h = _gat_constant_layer(x, row, col, W0, n_nodes)
    # BatchNorm1d (training-mode batch statistics, eps=1e-5)
    mean = h.mean(axis=0)
    var = h.var(axis=0)
    h = (h - mean) / jnp.sqrt(var + 1e-5) * bn0_gamma + bn0_beta
    # activation 'relu'
    h = jax.nn.relu(h)
    # dropout p=0.0 -> no-op
    # layer 1 (last layer: no bn, activation 'none')
    h = _gat_constant_layer(h, row, col, W1, n_nodes)
    return h

if __name__ == "__main__":
    import jax
    _d = setup_inputs()
    print(jax.jit(kernel)(*tuple(_d.values())))

</pallas_src>

<mosaic_0001>
#map = affine_map<(d0, d1) -> (0, 0, 0)>
#map1 = affine_map<(d0, d1) -> (0, 0)>
module attributes {stable_mosaic.version = 14 : i64} {
  func.func @body(%arg0: i32, %arg1: i32, %arg2: memref<32x92x128xi32, #tpu.memory_space<hbm>>, %arg3: memref<32x92x128xi32, #tpu.memory_space<hbm>>, %arg4: memref<10000x128xf32, #tpu.memory_space<hbm>>, %arg5: memref<632x128xf32, #tpu.memory_space<hbm>>, %arg6: memref<2x10112x128xf32, #tpu.memory_space<hbm>>, %arg7: memref<92x128xi32, #tpu.memory_space<vmem>>, %arg8: memref<92x128xi32, #tpu.memory_space<vmem>>, %arg9: memref<128x128xf32, #tpu.memory_space<vmem>>, %arg10: memref<10112x128xf32, #tpu.memory_space<vmem_shared>>) attributes {dimension_semantics = [#tpu.dimension_semantics<core_parallel>, #tpu.dimension_semantics<subcore_parallel>], iteration_bounds = array<i64: 2, 16>, scalar_prefetch = 0 : i64, scratch_operands = 4 : i64, tpu.core_type = #tpu.core_type<sc_vector_subcore>, window_params = [{transform_indices = #map}, {transform_indices = #map}, {transform_indices = #map1}, {transform_indices = #map1}, {transform_indices = #map}]} {
    %mul3A = arith.constant 16 : i32
    %mul3A_0 = arith.muli %arg0, %mul3A : i32
    %add3A = arith.addi %mul3A_0, %arg1 : i32
    %eq3A = arith.constant 0 : i32
    %eq3A_1 = arith.cmpi eq, %arg0, %eq3A : i32
    %jit3A = arith.constant 92 : i32
    %jit3A_2 = arith.constant 65 : i32
    %select_n3A = arith.select %eq3A_1, %jit3A, %jit3A_2 : i32
    "tpu.region"() ({
      %run_scoped3A = tpu.sem_alloc : memref<!tpu.dma_semaphore, #tpu.memory_space<semaphore_mem>>
      %dma_start3A = arith.constant 0 : i32
      %dma_start3A_19 = arith.constant 0 : i32
      %dma_start3A_20 = tpu.memref_slice %arg2[%add3A, %dma_start3A, %dma_start3A_19] : memref<32x92x128xi32, #tpu.memory_space<hbm>> -> memref<1x92x128xi32, #tpu.memory_space<hbm>>
      %dma_start3A_21 = tpu.memref_squeeze %dma_start3A_20 : memref<1x92x128xi32, #tpu.memory_space<hbm>> -> memref<92x128xi32, #tpu.memory_space<hbm>>
      %dma_start3A_22 = arith.constant 0 : i32
      %dma_start3A_23 = arith.constant 0 : i32
      %dma_start3A_24 = tpu.memref_slice %arg2[%add3A, %dma_start3A_22, %dma_start3A_23] : memref<32x92x128xi32, #tpu.memory_space<hbm>> -> memref<1x92x128xi32, #tpu.memory_space<hbm>>
      %dma_start3A_25 = tpu.memref_squeeze %dma_start3A_24 : memref<1x92x128xi32, #tpu.memory_space<hbm>> -> memref<92x128xi32, #tpu.memory_space<hbm>>
      tpu.enqueue_dma source(%dma_start3A_25 : memref<92x128xi32, #tpu.memory_space<hbm>>) target(%arg7 : memref<92x128xi32, #tpu.memory_space<vmem>>) target_semaphore(%run_scoped3A : memref<!tpu.dma_semaphore, #tpu.memory_space<semaphore_mem>>)
      %dma_wait3A = arith.constant 0 : i32
      %dma_wait3A_26 = arith.constant 0 : i32
      %dma_wait3A_27 = tpu.memref_slice %arg2[%add3A, %dma_wait3A, %dma_wait3A_26] : memref<32x92x128xi32, #tpu.memory_space<hbm>> -> memref<1x92x128xi32, #tpu.memory_space<hbm>>
      %dma_wait3A_28 = tpu.memref_squeeze %dma_wait3A_27 : memref<1x92x128xi32, #tpu.memory_space<hbm>> -> memref<92x128xi32, #tpu.memory_space<hbm>>
      %dma_wait3A_29 = arith.constant 0 : i32
      %dma_wait3A_30 = arith.constant 0 : i32
      %dma_wait3A_31 = tpu.memref_slice %arg2[%add3A, %dma_wait3A_29, %dma_wait3A_30] : memref<32x92x128xi32, #tpu.memory_space<hbm>> -> memref<1x92x128xi32, #tpu.memory_space<hbm>>
      %dma_wait3A_32 = tpu.memref_squeeze %dma_wait3A_31 : memref<1x92x128xi32, #tpu.memory_space<hbm>> -> memref<92x128xi32, #tpu.memory_space<hbm>>
      tpu.wait_dma2 semaphore(%run_scoped3A : memref<!tpu.dma_semaphore, #tpu.memory_space<semaphore_mem>>) src(%dma_wait3A_32 : memref<92x128xi32, #tpu.memory_space<hbm>>) dst(%arg7 : memref<92x128xi32, #tpu.memory_space<vmem>>)
      tpu.yield
    }) : () -> ()
    "tpu.region"() ({
      %run_scoped3A = tpu.sem_alloc : memref<!tpu.dma_semaphore, #tpu.memory_space<semaphore_mem>>
      %dma_start3A = arith.constant 0 : i32
      %dma_start3A_19 = arith.constant 0 : i32
      %dma_start3A_20 = tpu.memref_slice %arg3[%add3A, %dma_start3A, %dma_start3A_19] : memref<32x92x128xi32, #tpu.memory_space<hbm>> -> memref<1x92x128xi32, #tpu.memory_space<hbm>>
      %dma_start3A_21 = tpu.memref_squeeze %dma_start3A_20 : memref<1x92x128xi32, #tpu.memory_space<hbm>> -> memref<92x128xi32, #tpu.memory_space<hbm>>
      %dma_start3A_22 = arith.constant 0 : i32
      %dma_start3A_23 = arith.constant 0 : i32
      %dma_start3A_24 = tpu.memref_slice %arg3[%add3A, %dma_start3A_22, %dma_start3A_23] : memref<32x92x128xi32, #tpu.memory_space<hbm>> -> memref<1x92x128xi32, #tpu.memory_space<hbm>>
      %dma_start3A_25 = tpu.memref_squeeze %dma_start3A_24 : memref<1x92x128xi32, #tpu.memory_space<hbm>> -> memref<92x128xi32, #tpu.memory_space<hbm>>
      tpu.enqueue_dma source(%dma_start3A_25 : memref<92x128xi32, #tpu.memory_space<hbm>>) target(%arg8 : memref<92x128xi32, #tpu.memory_space<vmem>>) target_semaphore(%run_scoped3A : memref<!tpu.dma_semaphore, #tpu.memory_space<semaphore_mem>>)
      %dma_wait3A = arith.constant 0 : i32
      %dma_wait3A_26 = arith.constant 0 : i32
      %dma_wait3A_27 = tpu.memref_slice %arg3[%add3A, %dma_wait3A, %dma_wait3A_26] : memref<32x92x128xi32, #tpu.memory_space<hbm>> -> memref<1x92x128xi32, #tpu.memory_space<hbm>>
      %dma_wait3A_28 = tpu.memref_squeeze %dma_wait3A_27 : memref<1x92x128xi32, #tpu.memory_space<hbm>> -> memref<92x128xi32, #tpu.memory_space<hbm>>
      %dma_wait3A_29 = arith.constant 0 : i32
      %dma_wait3A_30 = arith.constant 0 : i32
      %dma_wait3A_31 = tpu.memref_slice %arg3[%add3A, %dma_wait3A_29, %dma_wait3A_30] : memref<32x92x128xi32, #tpu.memory_space<hbm>> -> memref<1x92x128xi32, #tpu.memory_space<hbm>>
      %dma_wait3A_32 = tpu.memref_squeeze %dma_wait3A_31 : memref<1x92x128xi32, #tpu.memory_space<hbm>> -> memref<92x128xi32, #tpu.memory_space<hbm>>
      tpu.wait_dma2 semaphore(%run_scoped3A : memref<!tpu.dma_semaphore, #tpu.memory_space<semaphore_mem>>) src(%dma_wait3A_32 : memref<92x128xi32, #tpu.memory_space<hbm>>) dst(%arg8 : memref<92x128xi32, #tpu.memory_space<vmem>>)
      tpu.yield
    }) : () -> ()
    %mul3A_3 = arith.constant 632 : i32
    %mul3A_4 = arith.muli %arg1, %mul3A_3 : i32
    "tpu.region"() ({
      %run_scoped3A = tpu.sem_alloc : memref<!tpu.dma_semaphore, #tpu.memory_space<semaphore_mem>>
      %dma_start3A = arith.constant 0 : i32
      %dma_start3A_19 = tpu.memref_slice %arg10[%mul3A_4, %dma_start3A] : memref<10112x128xf32, #tpu.memory_space<vmem_shared>> -> memref<632x128xf32, #tpu.memory_space<vmem_shared>>
      tpu.enqueue_dma source(%arg5 : memref<632x128xf32, #tpu.memory_space<hbm>>) target(%dma_start3A_19 : memref<632x128xf32, #tpu.memory_space<vmem_shared>>) target_semaphore(%run_scoped3A : memref<!tpu.dma_semaphore, #tpu.memory_space<semaphore_mem>>)
      %dma_wait3A = arith.constant 0 : i32
      %dma_wait3A_20 = tpu.memref_slice %arg10[%mul3A_4, %dma_wait3A] : memref<10112x128xf32, #tpu.memory_space<vmem_shared>> -> memref<632x128xf32, #tpu.memory_space<vmem_shared>>
      tpu.wait_dma2 semaphore(%run_scoped3A : memref<!tpu.dma_semaphore, #tpu.memory_space<semaphore_mem>>) src(%arg5 : memref<632x128xf32, #tpu.memory_space<hbm>>) dst(%dma_wait3A_20 : memref<632x128xf32, #tpu.memory_space<vmem_shared>>)
      tpu.yield
    }) : () -> ()
    %barrier3A = arith.constant 0 : index
    tpu.barrier barrier_id(%barrier3A)
    %while3A = arith.constant 0 : i32
    %while3A_5 = arith.constant 0 : i32
    %while3A_6 = arith.subi %select_n3A, %while3A_5 : i32
    %while3A_7 = arith.addi %while3A_5, %while3A_6 : i32
    %while3A_8 = arith.constant 1 : i32
    %while3A_9 = arith.divsi %while3A_6, %while3A_8 : i32
    %while3A_10 = arith.muli %while3A_9, %while3A_8 : i32
    %while3A_11 = arith.addi %while3A_5, %while3A_10 : i32
    %while3A_12 = arith.constant 1 : i32
    scf.for %while3A_19 = %while3A_5 to %while3A_11 step %while3A_12  : i32 {
      "tpu.region"() ({
        %run_scoped3A = tpu.sem_alloc : memref<!tpu.dma_semaphore, #tpu.memory_space<semaphore_mem>>
        %dma_start3A = arith.constant 0 : i32
        %dma_start3A_20 = tpu.memref_slice %arg8[%while3A_19, %dma_start3A] : memref<92x128xi32, #tpu.memory_space<vmem>> -> memref<1x128xi32, #tpu.memory_space<vmem>>
        %dma_start3A_21 = tpu.memref_squeeze %dma_start3A_20 : memref<1x128xi32, #tpu.memory_space<vmem>> -> memref<128xi32, #tpu.memory_space<vmem>>
        %dma_start3A_22 = arith.constant 0 : i32
        %dma_start3A_23 = arith.constant 0 : i32
        %dma_start3A_24 = tpu.memref_slice %arg4[%dma_start3A_22, %dma_start3A_23] : memref<10000x128xf32, #tpu.memory_space<hbm>> -> memref<10000x128xf32, #tpu.memory_space<hbm>>
        tpu.enqueue_indirect_dma source(%dma_start3A_24 : memref<10000x128xf32, #tpu.memory_space<hbm>>) target(%arg9 : memref<128x128xf32, #tpu.memory_space<vmem>>) offsets(%dma_start3A_21 : memref<128xi32, #tpu.memory_space<vmem>>) semaphore(%run_scoped3A : memref<!tpu.dma_semaphore, #tpu.memory_space<semaphore_mem>>)
        %dma_wait3A = arith.constant 0 : i32
        %dma_wait3A_25 = tpu.memref_slice %arg8[%while3A_19, %dma_wait3A] : memref<92x128xi32, #tpu.memory_space<vmem>> -> memref<1x128xi32, #tpu.memory_space<vmem>>
        %dma_wait3A_26 = tpu.memref_squeeze %dma_wait3A_25 : memref<1x128xi32, #tpu.memory_space<vmem>> -> memref<128xi32, #tpu.memory_space<vmem>>
        %dma_wait3A_27 = arith.constant 0 : i32
        %dma_wait3A_28 = arith.constant 0 : i32
        %dma_wait3A_29 = tpu.memref_slice %arg4[%dma_wait3A_27, %dma_wait3A_28] : memref<10000x128xf32, #tpu.memory_space<hbm>> -> memref<10000x128xf32, #tpu.memory_space<hbm>>
        tpu.wait_indirect_dma semaphore(%run_scoped3A : memref<!tpu.dma_semaphore, #tpu.memory_space<semaphore_mem>>) src(%dma_wait3A_29 : memref<10000x128xf32, #tpu.memory_space<hbm>>) dst(%arg9 : memref<128x128xf32, #tpu.memory_space<vmem>>)
        tpu.yield
      }) : () -> ()
      "tpu.region"() ({
        %run_scoped3A = tpu.sem_alloc : memref<!tpu.dma_semaphore, #tpu.memory_space<semaphore_mem>>
        %dma_start3A = arith.constant 0 : i32
        %dma_start3A_20 = tpu.memref_slice %arg7[%while3A_19, %dma_start3A] : memref<92x128xi32, #tpu.memory_space<vmem>> -> memref<1x128xi32, #tpu.memory_space<vmem>>
        %dma_start3A_21 = tpu.memref_squeeze %dma_start3A_20 : memref<1x128xi32, #tpu.memory_space<vmem>> -> memref<128xi32, #tpu.memory_space<vmem>>
        %dma_start3A_22 = arith.constant 0 : i32
        %dma_start3A_23 = arith.constant 0 : i32
        %dma_start3A_24 = tpu.memref_slice %arg10[%dma_start3A_22, %dma_start3A_23] : memref<10112x128xf32, #tpu.memory_space<vmem_shared>> -> memref<10112x128xf32, #tpu.memory_space<vmem_shared>>
        tpu.enqueue_indirect_dma source(%arg9 : memref<128x128xf32, #tpu.memory_space<vmem>>) target(%dma_start3A_24 : memref<10112x128xf32, #tpu.memory_space<vmem_shared>>) offsets(%dma_start3A_21 : memref<128xi32, #tpu.memory_space<vmem>>) semaphore(%run_scoped3A : memref<!tpu.dma_semaphore, #tpu.memory_space<semaphore_mem>>) {add = true}
        %dma_wait3A = arith.constant 0 : i32
        %dma_wait3A_25 = tpu.memref_slice %arg7[%while3A_19, %dma_wait3A] : memref<92x128xi32, #tpu.memory_space<vmem>> -> memref<1x128xi32, #tpu.memory_space<vmem>>
        %dma_wait3A_26 = tpu.memref_squeeze %dma_wait3A_25 : memref<1x128xi32, #tpu.memory_space<vmem>> -> memref<128xi32, #tpu.memory_space<vmem>>
        %dma_wait3A_27 = arith.constant 0 : i32
        %dma_wait3A_28 = arith.constant 0 : i32
        %dma_wait3A_29 = tpu.memref_slice %arg10[%dma_wait3A_27, %dma_wait3A_28] : memref<10112x128xf32, #tpu.memory_space<vmem_shared>> -> memref<10112x128xf32, #tpu.memory_space<vmem_shared>>
        tpu.wait_indirect_dma semaphore(%run_scoped3A : memref<!tpu.dma_semaphore, #tpu.memory_space<semaphore_mem>>) src(%arg9 : memref<128x128xf32, #tpu.memory_space<vmem>>) dst(%dma_wait3A_29 : memref<10112x128xf32, #tpu.memory_space<vmem_shared>>)
        tpu.yield
      }) : () -> ()
    }
    %while3A_13 = arith.constant 1 : i32
    scf.for %while3A_19 = %while3A_11 to %while3A_7 step %while3A_13  : i32 {
      "tpu.region"() ({
        %run_scoped3A = tpu.sem_alloc : memref<!tpu.dma_semaphore, #tpu.memory_space<semaphore_mem>>
        %dma_start3A = arith.constant 0 : i32
        %dma_start3A_20 = tpu.memref_slice %arg8[%while3A_19, %dma_start3A] : memref<92x128xi32, #tpu.memory_space<vmem>> -> memref<1x128xi32, #tpu.memory_space<vmem>>
        %dma_start3A_21 = tpu.memref_squeeze %dma_start3A_20 : memref<1x128xi32, #tpu.memory_space<vmem>> -> memref<128xi32, #tpu.memory_space<vmem>>
        %dma_start3A_22 = arith.constant 0 : i32
        %dma_start3A_23 = arith.constant 0 : i32
        %dma_start3A_24 = tpu.memref_slice %arg4[%dma_start3A_22, %dma_start3A_23] : memref<10000x128xf32, #tpu.memory_space<hbm>> -> memref<10000x128xf32, #tpu.memory_space<hbm>>
        tpu.enqueue_indirect_dma source(%dma_start3A_24 : memref<10000x128xf32, #tpu.memory_space<hbm>>) target(%arg9 : memref<128x128xf32, #tpu.memory_space<vmem>>) offsets(%dma_start3A_21 : memref<128xi32, #tpu.memory_space<vmem>>) semaphore(%run_scoped3A : memref<!tpu.dma_semaphore, #tpu.memory_space<semaphore_mem>>)
        %dma_wait3A = arith.constant 0 : i32
        %dma_wait3A_25 = tpu.memref_slice %arg8[%while3A_19, %dma_wait3A] : memref<92x128xi32, #tpu.memory_space<vmem>> -> memref<1x128xi32, #tpu.memory_space<vmem>>
        %dma_wait3A_26 = tpu.memref_squeeze %dma_wait3A_25 : memref<1x128xi32, #tpu.memory_space<vmem>> -> memref<128xi32, #tpu.memory_space<vmem>>
        %dma_wait3A_27 = arith.constant 0 : i32
        %dma_wait3A_28 = arith.constant 0 : i32
        %dma_wait3A_29 = tpu.memref_slice %arg4[%dma_wait3A_27, %dma_wait3A_28] : memref<10000x128xf32, #tpu.memory_space<hbm>> -> memref<10000x128xf32, #tpu.memory_space<hbm>>
        tpu.wait_indirect_dma semaphore(%run_scoped3A : memref<!tpu.dma_semaphore, #tpu.memory_space<semaphore_mem>>) src(%dma_wait3A_29 : memref<10000x128xf32, #tpu.memory_space<hbm>>) dst(%arg9 : memref<128x128xf32, #tpu.memory_space<vmem>>)
        tpu.yield
      }) : () -> ()
      "tpu.region"() ({
        %run_scoped3A = tpu.sem_alloc : memref<!tpu.dma_semaphore, #tpu.memory_space<semaphore_mem>>
        %dma_start3A = arith.constant 0 : i32
        %dma_start3A_20 = tpu.memref_slice %arg7[%while3A_19, %dma_start3A] : memref<92x128xi32, #tpu.memory_space<vmem>> -> memref<1x128xi32, #tpu.memory_space<vmem>>
        %dma_start3A_21 = tpu.memref_squeeze %dma_start3A_20 : memref<1x128xi32, #tpu.memory_space<vmem>> -> memref<128xi32, #tpu.memory_space<vmem>>
        %dma_start3A_22 = arith.constant 0 : i32
        %dma_start3A_23 = arith.constant 0 : i32
        %dma_start3A_24 = tpu.memref_slice %arg10[%dma_start3A_22, %dma_start3A_23] : memref<10112x128xf32, #tpu.memory_space<vmem_shared>> -> memref<10112x128xf32, #tpu.memory_space<vmem_shared>>
        tpu.enqueue_indirect_dma source(%arg9 : memref<128x128xf32, #tpu.memory_space<vmem>>) target(%dma_start3A_24 : memref<10112x128xf32, #tpu.memory_space<vmem_shared>>) offsets(%dma_start3A_21 : memref<128xi32, #tpu.memory_space<vmem>>) semaphore(%run_scoped3A : memref<!tpu.dma_semaphore, #tpu.memory_space<semaphore_mem>>) {add = true}
        %dma_wait3A = arith.constant 0 : i32
        %dma_wait3A_25 = tpu.memref_slice %arg7[%while3A_19, %dma_wait3A] : memref<92x128xi32, #tpu.memory_space<vmem>> -> memref<1x128xi32, #tpu.memory_space<vmem>>
        %dma_wait3A_26 = tpu.memref_squeeze %dma_wait3A_25 : memref<1x128xi32, #tpu.memory_space<vmem>> -> memref<128xi32, #tpu.memory_space<vmem>>
        %dma_wait3A_27 = arith.constant 0 : i32
        %dma_wait3A_28 = arith.constant 0 : i32
        %dma_wait3A_29 = tpu.memref_slice %arg10[%dma_wait3A_27, %dma_wait3A_28] : memref<10112x128xf32, #tpu.memory_space<vmem_shared>> -> memref<10112x128xf32, #tpu.memory_space<vmem_shared>>
        tpu.wait_indirect_dma semaphore(%run_scoped3A : memref<!tpu.dma_semaphore, #tpu.memory_space<semaphore_mem>>) src(%arg9 : memref<128x128xf32, #tpu.memory_space<vmem>>) dst(%dma_wait3A_29 : memref<10112x128xf32, #tpu.memory_space<vmem_shared>>)
        tpu.yield
      }) : () -> ()
    }
    %barrier3A_14 = arith.constant 0 : index
    tpu.barrier barrier_id(%barrier3A_14)
    %mul3A_15 = arith.constant 632 : i32
    %mul3A_16 = arith.muli %arg1, %mul3A_15 : i32
    %mul3A_17 = arith.constant 632 : i32
    %mul3A_18 = arith.muli %arg1, %mul3A_17 : i32
    "tpu.region"() ({
      %run_scoped3A = tpu.sem_alloc : memref<!tpu.dma_semaphore, #tpu.memory_space<semaphore_mem>>
      %dma_start3A = arith.constant 0 : i32
      %dma_start3A_19 = tpu.memref_slice %arg6[%arg0, %mul3A_18, %dma_start3A] : memref<2x10112x128xf32, #tpu.memory_space<hbm>> -> memref<1x632x128xf32, #tpu.memory_space<hbm>>
      %dma_start3A_20 = tpu.memref_squeeze %dma_start3A_19 : memref<1x632x128xf32, #tpu.memory_space<hbm>> -> memref<632x128xf32, #tpu.memory_space<hbm>>
      %dma_start3A_21 = arith.constant 0 : i32
      %dma_start3A_22 = tpu.memref_slice %arg10[%mul3A_16, %dma_start3A_21] : memref<10112x128xf32, #tpu.memory_space<vmem_shared>> -> memref<632x128xf32, #tpu.memory_space<vmem_shared>>
      tpu.enqueue_dma source(%dma_start3A_22 : memref<632x128xf32, #tpu.memory_space<vmem_shared>>) target(%dma_start3A_20 : memref<632x128xf32, #tpu.memory_space<hbm>>) target_semaphore(%run_scoped3A : memref<!tpu.dma_semaphore, #tpu.memory_space<semaphore_mem>>)
      %dma_wait3A = arith.constant 0 : i32
      %dma_wait3A_23 = tpu.memref_slice %arg6[%arg0, %mul3A_18, %dma_wait3A] : memref<2x10112x128xf32, #tpu.memory_space<hbm>> -> memref<1x632x128xf32, #tpu.memory_space<hbm>>
      %dma_wait3A_24 = tpu.memref_squeeze %dma_wait3A_23 : memref<1x632x128xf32, #tpu.memory_space<hbm>> -> memref<632x128xf32, #tpu.memory_space<hbm>>
      %dma_wait3A_25 = arith.constant 0 : i32
      %dma_wait3A_26 = tpu.memref_slice %arg10[%mul3A_16, %dma_wait3A_25] : memref<10112x128xf32, #tpu.memory_space<vmem_shared>> -> memref<632x128xf32, #tpu.memory_space<vmem_shared>>
      tpu.wait_dma2 semaphore(%run_scoped3A : memref<!tpu.dma_semaphore, #tpu.memory_space<semaphore_mem>>) src(%dma_wait3A_26 : memref<632x128xf32, #tpu.memory_space<vmem_shared>>) dst(%dma_wait3A_24 : memref<632x128xf32, #tpu.memory_space<hbm>>)
      tpu.yield
    }) : () -> ()
    return
  }
}

#map = affine_map<(d0, d1) -> (0, 0, 0)>
#map1 = affine_map<(d0, d1) -> (0, 0)>
module attributes {stable_mosaic.version = 14 : i64} {
  func.func @body(%arg0: i32, %arg1: i32, %arg2: memref<32x92x128xi32, #tpu.memory_space<hbm>>, %arg3: memref<32x92x128xi32, #tpu.memory_space<hbm>>, %arg4: memref<10000x128xf32, #tpu.memory_space<hbm>>, %arg5: memref<632x128xf32, #tpu.memory_space<hbm>>, %arg6: memref<2x10112x128xf32, #tpu.memory_space<hbm>>, %arg7: memref<92x128xi32, #tpu.memory_space<vmem>>, %arg8: memref<92x128xi32, #tpu.memory_space<vmem>>, %arg9: memref<128x128xf32, #tpu.memory_space<vmem>>, %arg10: memref<10112x128xf32, #tpu.memory_space<vmem_shared>>) attributes {dimension_semantics = [#tpu.dimension_semantics<core_parallel>, #tpu.dimension_semantics<subcore_parallel>], iteration_bounds = array<i64: 2, 16>, scalar_prefetch = 0 : i64, scratch_operands = 4 : i64, tpu.core_type = #tpu.core_type<sc_vector_subcore>, window_params = [{transform_indices = #map}, {transform_indices = #map}, {transform_indices = #map1}, {transform_indices = #map1}, {transform_indices = #map}]} {
    %mul3A = arith.constant 16 : i32
    %mul3A_0 = arith.muli %arg0, %mul3A : i32
    %add3A = arith.addi %mul3A_0, %arg1 : i32
    %eq3A = arith.constant 0 : i32
    %eq3A_1 = arith.cmpi eq, %arg0, %eq3A : i32
    %jit3A = arith.constant 92 : i32
    %jit3A_2 = arith.constant 65 : i32
    %select_n3A = arith.select %eq3A_1, %jit3A, %jit3A_2 : i32
    "tpu.region"() ({
      %run_scoped3A = tpu.sem_alloc : memref<!tpu.dma_semaphore, #tpu.memory_space<semaphore_mem>>
      %dma_start3A = arith.constant 0 : i32
      %dma_start3A_19 = arith.constant 0 : i32
      %dma_start3A_20 = tpu.memref_slice %arg2[%add3A, %dma_start3A, %dma_start3A_19] : memref<32x92x128xi32, #tpu.memory_space<hbm>> -> memref<1x92x128xi32, #tpu.memory_space<hbm>>
      %dma_start3A_21 = tpu.memref_squeeze %dma_start3A_20 : memref<1x92x128xi32, #tpu.memory_space<hbm>> -> memref<92x128xi32, #tpu.memory_space<hbm>>
      %dma_start3A_22 = arith.constant 0 : i32
      %dma_start3A_23 = arith.constant 0 : i32
      %dma_start3A_24 = tpu.memref_slice %arg2[%add3A, %dma_start3A_22, %dma_start3A_23] : memref<32x92x128xi32, #tpu.memory_space<hbm>> -> memref<1x92x128xi32, #tpu.memory_space<hbm>>
      %dma_start3A_25 = tpu.memref_squeeze %dma_start3A_24 : memref<1x92x128xi32, #tpu.memory_space<hbm>> -> memref<92x128xi32, #tpu.memory_space<hbm>>
      tpu.enqueue_dma source(%dma_start3A_25 : memref<92x128xi32, #tpu.memory_space<hbm>>) target(%arg7 : memref<92x128xi32, #tpu.memory_space<vmem>>) target_semaphore(%run_scoped3A : memref<!tpu.dma_semaphore, #tpu.memory_space<semaphore_mem>>)
      %dma_wait3A = arith.constant 0 : i32
      %dma_wait3A_26 = arith.constant 0 : i32
      %dma_wait3A_27 = tpu.memref_slice %arg2[%add3A, %dma_wait3A, %dma_wait3A_26] : memref<32x92x128xi32, #tpu.memory_space<hbm>> -> memref<1x92x128xi32, #tpu.memory_space<hbm>>
      %dma_wait3A_28 = tpu.memref_squeeze %dma_wait3A_27 : memref<1x92x128xi32, #tpu.memory_space<hbm>> -> memref<92x128xi32, #tpu.memory_space<hbm>>
      %dma_wait3A_29 = arith.constant 0 : i32
      %dma_wait3A_30 = arith.constant 0 : i32
      %dma_wait3A_31 = tpu.memref_slice %arg2[%add3A, %dma_wait3A_29, %dma_wait3A_30] : memref<32x92x128xi32, #tpu.memory_space<hbm>> -> memref<1x92x128xi32, #tpu.memory_space<hbm>>
      %dma_wait3A_32 = tpu.memref_squeeze %dma_wait3A_31 : memref<1x92x128xi32, #tpu.memory_space<hbm>> -> memref<92x128xi32, #tpu.memory_space<hbm>>
      tpu.wait_dma2 semaphore(%run_scoped3A : memref<!tpu.dma_semaphore, #tpu.memory_space<semaphore_mem>>) src(%dma_wait3A_32 : memref<92x128xi32, #tpu.memory_space<hbm>>) dst(%arg7 : memref<92x128xi32, #tpu.memory_space<vmem>>)
      tpu.yield
    }) : () -> ()
    "tpu.region"() ({
      %run_scoped3A = tpu.sem_alloc : memref<!tpu.dma_semaphore, #tpu.memory_space<semaphore_mem>>
      %dma_start3A = arith.constant 0 : i32
      %dma_start3A_19 = arith.constant 0 : i32
      %dma_start3A_20 = tpu.memref_slice %arg3[%add3A, %dma_start3A, %dma_start3A_19] : memref<32x92x128xi32, #tpu.memory_space<hbm>> -> memref<1x92x128xi32, #tpu.memory_space<hbm>>
      %dma_start3A_21 = tpu.memref_squeeze %dma_start3A_20 : memref<1x92x128xi32, #tpu.memory_space<hbm>> -> memref<92x128xi32, #tpu.memory_space<hbm>>
      %dma_start3A_22 = arith.constant 0 : i32
      %dma_start3A_23 = arith.constant 0 : i32
      %dma_start3A_24 = tpu.memref_slice %arg3[%add3A, %dma_start3A_22, %dma_start3A_23] : memref<32x92x128xi32, #tpu.memory_space<hbm>> -> memref<1x92x128xi32, #tpu.memory_space<hbm>>
      %dma_start3A_25 = tpu.memref_squeeze %dma_start3A_24 : memref<1x92x128xi32, #tpu.memory_space<hbm>> -> memref<92x128xi32, #tpu.memory_space<hbm>>
      tpu.enqueue_dma source(%dma_start3A_25 : memref<92x128xi32, #tpu.memory_space<hbm>>) target(%arg8 : memref<92x128xi32, #tpu.memory_space<vmem>>) target_semaphore(%run_scoped3A : memref<!tpu.dma_semaphore, #tpu.memory_space<semaphore_mem>>)
      %dma_wait3A = arith.constant 0 : i32
      %dma_wait3A_26 = arith.constant 0 : i32
      %dma_wait3A_27 = tpu.memref_slice %arg3[%add3A, %dma_wait3A, %dma_wait3A_26] : memref<32x92x128xi32, #tpu.memory_space<hbm>> -> memref<1x92x128xi32, #tpu.memory_space<hbm>>
      %dma_wait3A_28 = tpu.memref_squeeze %dma_wait3A_27 : memref<1x92x128xi32, #tpu.memory_space<hbm>> -> memref<92x128xi32, #tpu.memory_space<hbm>>
      %dma_wait3A_29 = arith.constant 0 : i32
      %dma_wait3A_30 = arith.constant 0 : i32
      %dma_wait3A_31 = tpu.memref_slice %arg3[%add3A, %dma_wait3A_29, %dma_wait3A_30] : memref<32x92x128xi32, #tpu.memory_space<hbm>> -> memref<1x92x128xi32, #tpu.memory_space<hbm>>
      %dma_wait3A_32 = tpu.memref_squeeze %dma_wait3A_31 : memref<1x92x128xi32, #tpu.memory_space<hbm>> -> memref<92x128xi32, #tpu.memory_space<hbm>>
      tpu.wait_dma2 semaphore(%run_scoped3A : memref<!tpu.dma_semaphore, #tpu.memory_space<semaphore_mem>>) src(%dma_wait3A_32 : memref<92x128xi32, #tpu.memory_space<hbm>>) dst(%arg8 : memref<92x128xi32, #tpu.memory_space<vmem>>)
      tpu.yield
    }) : () -> ()
    %mul3A_3 = arith.constant 632 : i32
    %mul3A_4 = arith.muli %arg1, %mul3A_3 : i32
    "tpu.region"() ({
      %run_scoped3A = tpu.sem_alloc : memref<!tpu.dma_semaphore, #tpu.memory_space<semaphore_mem>>
      %dma_start3A = arith.constant 0 : i32
      %dma_start3A_19 = tpu.memref_slice %arg10[%mul3A_4, %dma_start3A] : memref<10112x128xf32, #tpu.memory_space<vmem_shared>> -> memref<632x128xf32, #tpu.memory_space<vmem_shared>>
      tpu.enqueue_dma source(%arg5 : memref<632x128xf32, #tpu.memory_space<hbm>>) target(%dma_start3A_19 : memref<632x128xf32, #tpu.memory_space<vmem_shared>>) target_semaphore(%run_scoped3A : memref<!tpu.dma_semaphore, #tpu.memory_space<semaphore_mem>>)
      %dma_wait3A = arith.constant 0 : i32
      %dma_wait3A_20 = tpu.memref_slice %arg10[%mul3A_4, %dma_wait3A] : memref<10112x128xf32, #tpu.memory_space<vmem_shared>> -> memref<632x128xf32, #tpu.memory_space<vmem_shared>>
      tpu.wait_dma2 semaphore(%run_scoped3A : memref<!tpu.dma_semaphore, #tpu.memory_space<semaphore_mem>>) src(%arg5 : memref<632x128xf32, #tpu.memory_space<hbm>>) dst(%dma_wait3A_20 : memref<632x128xf32, #tpu.memory_space<vmem_shared>>)
      tpu.yield
    }) : () -> ()
    %barrier3A = arith.constant 0 : index
    tpu.barrier barrier_id(%barrier3A)
    %while3A = arith.constant 0 : i32
    %while3A_5 = arith.constant 0 : i32
    %while3A_6 = arith.subi %select_n3A, %while3A_5 : i32
    %while3A_7 = arith.addi %while3A_5, %while3A_6 : i32
    %while3A_8 = arith.constant 1 : i32
    %while3A_9 = arith.divsi %while3A_6, %while3A_8 : i32
    %while3A_10 = arith.muli %while3A_9, %while3A_8 : i32
    %while3A_11 = arith.addi %while3A_5, %while3A_10 : i32
    %while3A_12 = arith.constant 1 : i32
    scf.for %while3A_19 = %while3A_5 to %while3A_11 step %while3A_12  : i32 {
      "tpu.region"() ({
        %run_scoped3A = tpu.sem_alloc : memref<!tpu.dma_semaphore, #tpu.memory_space<semaphore_mem>>
        %dma_start3A = arith.constant 0 : i32
        %dma_start3A_20 = tpu.memref_slice %arg8[%while3A_19, %dma_start3A] : memref<92x128xi32, #tpu.memory_space<vmem>> -> memref<1x128xi32, #tpu.memory_space<vmem>>
        %dma_start3A_21 = tpu.memref_squeeze %dma_start3A_20 : memref<1x128xi32, #tpu.memory_space<vmem>> -> memref<128xi32, #tpu.memory_space<vmem>>
        %dma_start3A_22 = arith.constant 0 : i32
        %dma_start3A_23 = arith.constant 0 : i32
        %dma_start3A_24 = tpu.memref_slice %arg4[%dma_start3A_22, %dma_start3A_23] : memref<10000x128xf32, #tpu.memory_space<hbm>> -> memref<10000x128xf32, #tpu.memory_space<hbm>>
        tpu.enqueue_indirect_dma source(%dma_start3A_24 : memref<10000x128xf32, #tpu.memory_space<hbm>>) target(%arg9 : memref<128x128xf32, #tpu.memory_space<vmem>>) offsets(%dma_start3A_21 : memref<128xi32, #tpu.memory_space<vmem>>) semaphore(%run_scoped3A : memref<!tpu.dma_semaphore, #tpu.memory_space<semaphore_mem>>)
        %dma_wait3A = arith.constant 0 : i32
        %dma_wait3A_25 = tpu.memref_slice %arg8[%while3A_19, %dma_wait3A] : memref<92x128xi32, #tpu.memory_space<vmem>> -> memref<1x128xi32, #tpu.memory_space<vmem>>
        %dma_wait3A_26 = tpu.memref_squeeze %dma_wait3A_25 : memref<1x128xi32, #tpu.memory_space<vmem>> -> memref<128xi32, #tpu.memory_space<vmem>>
        %dma_wait3A_27 = arith.constant 0 : i32
        %dma_wait3A_28 = arith.constant 0 : i32
        %dma_wait3A_29 = tpu.memref_slice %arg4[%dma_wait3A_27, %dma_wait3A_28] : memref<10000x128xf32, #tpu.memory_space<hbm>> -> memref<10000x128xf32, #tpu.memory_space<hbm>>
        tpu.wait_indirect_dma semaphore(%run_scoped3A : memref<!tpu.dma_semaphore, #tpu.memory_space<semaphore_mem>>) src(%dma_wait3A_29 : memref<10000x128xf32, #tpu.memory_space<hbm>>) dst(%arg9 : memref<128x128xf32, #tpu.memory_space<vmem>>)
        tpu.yield
      }) : () -> ()
      "tpu.region"() ({
        %run_scoped3A = tpu.sem_alloc : memref<!tpu.dma_semaphore, #tpu.memory_space<semaphore_mem>>
        %dma_start3A = arith.constant 0 : i32
        %dma_start3A_20 = tpu.memref_slice %arg7[%while3A_19, %dma_start3A] : memref<92x128xi32, #tpu.memory_space<vmem>> -> memref<1x128xi32, #tpu.memory_space<vmem>>
        %dma_start3A_21 = tpu.memref_squeeze %dma_start3A_20 : memref<1x128xi32, #tpu.memory_space<vmem>> -> memref<128xi32, #tpu.memory_space<vmem>>
        %dma_start3A_22 = arith.constant 0 : i32
        %dma_start3A_23 = arith.constant 0 : i32
        %dma_start3A_24 = tpu.memref_slice %arg10[%dma_start3A_22, %dma_start3A_23] : memref<10112x128xf32, #tpu.memory_space<vmem_shared>> -> memref<10112x128xf32, #tpu.memory_space<vmem_shared>>
        tpu.enqueue_indirect_dma source(%arg9 : memref<128x128xf32, #tpu.memory_space<vmem>>) target(%dma_start3A_24 : memref<10112x128xf32, #tpu.memory_space<vmem_shared>>) offsets(%dma_start3A_21 : memref<128xi32, #tpu.memory_space<vmem>>) semaphore(%run_scoped3A : memref<!tpu.dma_semaphore, #tpu.memory_space<semaphore_mem>>) {add = true}
        %dma_wait3A = arith.constant 0 : i32
        %dma_wait3A_25 = tpu.memref_slice %arg7[%while3A_19, %dma_wait3A] : memref<92x128xi32, #tpu.memory_space<vmem>> -> memref<1x128xi32, #tpu.memory_space<vmem>>
        %dma_wait3A_26 = tpu.memref_squeeze %dma_wait3A_25 : memref<1x128xi32, #tpu.memory_space<vmem>> -> memref<128xi32, #tpu.memory_space<vmem>>
        %dma_wait3A_27 = arith.constant 0 : i32
        %dma_wait3A_28 = arith.constant 0 : i32
        %dma_wait3A_29 = tpu.memref_slice %arg10[%dma_wait3A_27, %dma_wait3A_28] : memref<10112x128xf32, #tpu.memory_space<vmem_shared>> -> memref<10112x128xf32, #tpu.memory_space<vmem_shared>>
        tpu.wait_indirect_dma semaphore(%run_scoped3A : memref<!tpu.dma_semaphore, #tpu.memory_space<semaphore_mem>>) src(%arg9 : memref<128x128xf32, #tpu.memory_space<vmem>>) dst(%dma_wait3A_29 : memref<10112x128xf32, #tpu.memory_space<vmem_shared>>)
        tpu.yield
      }) : () -> ()
    }
    %while3A_13 = arith.constant 1 : i32
    scf.for %while3A_19 = %while3A_11 to %while3A_7 step %while3A_13  : i32 {
      "tpu.region"() ({
        %run_scoped3A = tpu.sem_alloc : memref<!tpu.dma_semaphore, #tpu.memory_space<semaphore_mem>>
        %dma_start3A = arith.constant 0 : i32
        %dma_start3A_20 = tpu.memref_slice %arg8[%while3A_19, %dma_start3A] : memref<92x128xi32, #tpu.memory_space<vmem>> -> memref<1x128xi32, #tpu.memory_space<vmem>>
        %dma_start3A_21 = tpu.memref_squeeze %dma_start3A_20 : memref<1x128xi32, #tpu.memory_space<vmem>> -> memref<128xi32, #tpu.memory_space<vmem>>
        %dma_start3A_22 = arith.constant 0 : i32
        %dma_start3A_23 = arith.constant 0 : i32
        %dma_start3A_24 = tpu.memref_slice %arg4[%dma_start3A_22, %dma_start3A_23] : memref<10000x128xf32, #tpu.memory_space<hbm>> -> memref<10000x128xf32, #tpu.memory_space<hbm>>
        tpu.enqueue_indirect_dma source(%dma_start3A_24 : memref<10000x128xf32, #tpu.memory_space<hbm>>) target(%arg9 : memref<128x128xf32, #tpu.memory_space<vmem>>) offsets(%dma_start3A_21 : memref<128xi32, #tpu.memory_space<vmem>>) semaphore(%run_scoped3A : memref<!tpu.dma_semaphore, #tpu.memory_space<semaphore_mem>>)
        %dma_wait3A = arith.constant 0 : i32
        %dma_wait3A_25 = tpu.memref_slice %arg8[%while3A_19, %dma_wait3A] : memref<92x128xi32, #tpu.memory_space<vmem>> -> memref<1x128xi32, #tpu.memory_space<vmem>>
        %dma_wait3A_26 = tpu.memref_squeeze %dma_wait3A_25 : memref<1x128xi32, #tpu.memory_space<vmem>> -> memref<128xi32, #tpu.memory_space<vmem>>
        %dma_wait3A_27 = arith.constant 0 : i32
        %dma_wait3A_28 = arith.constant 0 : i32
        %dma_wait3A_29 = tpu.memref_slice %arg4[%dma_wait3A_27, %dma_wait3A_28] : memref<10000x128xf32, #tpu.memory_space<hbm>> -> memref<10000x128xf32, #tpu.memory_space<hbm>>
        tpu.wait_indirect_dma semaphore(%run_scoped3A : memref<!tpu.dma_semaphore, #tpu.memory_space<semaphore_mem>>) src(%dma_wait3A_29 : memref<10000x128xf32, #tpu.memory_space<hbm>>) dst(%arg9 : memref<128x128xf32, #tpu.memory_space<vmem>>)
        tpu.yield
      }) : () -> ()
      "tpu.region"() ({
        %run_scoped3A = tpu.sem_alloc : memref<!tpu.dma_semaphore, #tpu.memory_space<semaphore_mem>>
        %dma_start3A = arith.constant 0 : i32
        %dma_start3A_20 = tpu.memref_slice %arg7[%while3A_19, %dma_start3A] : memref<92x128xi32, #tpu.memory_space<vmem>> -> memref<1x128xi32, #tpu.memory_space<vmem>>
        %dma_start3A_21 = tpu.memref_squeeze %dma_start3A_20 : memref<1x128xi32, #tpu.memory_space<vmem>> -> memref<128xi32, #tpu.memory_space<vmem>>
        %dma_start3A_22 = arith.constant 0 : i32
        %dma_start3A_23 = arith.constant 0 : i32
        %dma_start3A_24 = tpu.memref_slice %arg10[%dma_start3A_22, %dma_start3A_23] : memref<10112x128xf32, #tpu.memory_space<vmem_shared>> -> memref<10112x128xf32, #tpu.memory_space<vmem_shared>>
        tpu.enqueue_indirect_dma source(%arg9 : memref<128x128xf32, #tpu.memory_space<vmem>>) target(%dma_start3A_24 : memref<10112x128xf32, #tpu.memory_space<vmem_shared>>) offsets(%dma_start3A_21 : memref<128xi32, #tpu.memory_space<vmem>>) semaphore(%run_scoped3A : memref<!tpu.dma_semaphore, #tpu.memory_space<semaphore_mem>>) {add = true}
        %dma_wait3A = arith.constant 0 : i32
        %dma_wait3A_25 = tpu.memref_slice %arg7[%while3A_19, %dma_wait3A] : memref<92x128xi32, #tpu.memory_space<vmem>> -> memref<1x128xi32, #tpu.memory_space<vmem>>
        %dma_wait3A_26 = tpu.memref_squeeze %dma_wait3A_25 : memref<1x128xi32, #tpu.memory_space<vmem>> -> memref<128xi32, #tpu.memory_space<vmem>>
        %dma_wait3A_27 = arith.constant 0 : i32
        %dma_wait3A_28 = arith.constant 0 : i32
        %dma_wait3A_29 = tpu.memref_slice %arg10[%dma_wait3A_27, %dma_wait3A_28] : memref<10112x128xf32, #tpu.memory_space<vmem_shared>> -> memref<10112x128xf32, #tpu.memory_space<vmem_shared>>
        tpu.wait_indirect_dma semaphore(%run_scoped3A : memref<!tpu.dma_semaphore, #tpu.memory_space<semaphore_mem>>) src(%arg9 : memref<128x128xf32, #tpu.memory_space<vmem>>) dst(%dma_wait3A_29 : memref<10112x128xf32, #tpu.memory_space<vmem_shared>>)
        tpu.yield
      }) : () -> ()
    }
    %barrier3A_14 = arith.constant 0 : index
    tpu.barrier barrier_id(%barrier3A_14)
    %mul3A_15 = arith.constant 632 : i32
    %mul3A_16 = arith.muli %arg1, %mul3A_15 : i32
    %mul3A_17 = arith.constant 632 : i32
    %mul3A_18 = arith.muli %arg1, %mul3A_17 : i32
    "tpu.region"() ({
      %run_scoped3A = tpu.sem_alloc : memref<!tpu.dma_semaphore, #tpu.memory_space<semaphore_mem>>
      %dma_start3A = arith.constant 0 : i32
      %dma_start3A_19 = tpu.memref_slice %arg6[%arg0, %mul3A_18, %dma_start3A] : memref<2x10112x128xf32, #tpu.memory_space<hbm>> -> memref<1x632x128xf32, #tpu.memory_space<hbm>>
      %dma_start3A_20 = tpu.memref_squeeze %dma_start3A_19 : memref<1x632x128xf32, #tpu.memory_space<hbm>> -> memref<632x128xf32, #tpu.memory_space<hbm>>
      %dma_start3A_21 = arith.constant 0 : i32
      %dma_start3A_22 = tpu.memref_slice %arg10[%mul3A_16, %dma_start3A_21] : memref<10112x128xf32, #tpu.memory_space<vmem_shared>> -> memref<632x128xf32, #tpu.memory_space<vmem_shared>>
      tpu.enqueue_dma source(%dma_start3A_22 : memref<632x128xf32, #tpu.memory_space<vmem_shared>>) target(%dma_start3A_20 : memref<632x128xf32, #tpu.memory_space<hbm>>) target_semaphore(%run_scoped3A : memref<!tpu.dma_semaphore, #tpu.memory_space<semaphore_mem>>)
      %dma_wait3A = arith.constant 0 : i32
      %dma_wait3A_23 = tpu.memref_slice %arg6[%arg0, %mul3A_18, %dma_wait3A] : memref<2x10112x128xf32, #tpu.memory_space<hbm>> -> memref<1x632x128xf32, #tpu.memory_space<hbm>>
      %dma_wait3A_24 = tpu.memref_squeeze %dma_wait3A_23 : memref<1x632x128xf32, #tpu.memory_space<hbm>> -> memref<632x128xf32, #tpu.memory_space<hbm>>
      %dma_wait3A_25 = arith.constant 0 : i32
      %dma_wait3A_26 = tpu.memref_slice %arg10[%mul3A_16, %dma_wait3A_25] : memref<10112x128xf32, #tpu.memory_space<vmem_shared>> -> memref<632x128xf32, #tpu.memory_space<vmem_shared>>
      tpu.wait_dma2 semaphore(%run_scoped3A : memref<!tpu.dma_semaphore, #tpu.memory_space<semaphore_mem>>) src(%dma_wait3A_26 : memref<632x128xf32, #tpu.memory_space<vmem_shared>>) dst(%dma_wait3A_24 : memref<632x128xf32, #tpu.memory_space<hbm>>)
      tpu.yield
    }) : () -> ()
    return
  }
}

module attributes {stable_mosaic.version = 14 : i64} {
  func.func @_mm_body(%arg0: i32, %arg1: memref<1000x128xf32, #tpu.memory_space<vmem>>, %arg2: memref<128x128xf32, #tpu.memory_space<vmem>>, %arg3: memref<1000x128xf32, #tpu.memory_space<vmem>>) attributes {dimension_semantics = [#tpu.dimension_semantics<arbitrary>], iteration_bounds = array<i64: 10>, scalar_prefetch = 0 : i64, scratch_operands = 0 : i64, tpu.core_type = #tpu.core_type<tc>, window_params = [{transform_indices = @transform_0, window_bounds = array<i64: 1000, 128>}, {pipeline_mode = #tpu.pipeline_mode<synchronous>, transform_indices = @transform_1, window_bounds = array<i64: 128, 128>}, {transform_indices = @transform_2, window_bounds = array<i64: 1000, 128>}]} {
    %get3A = arith.constant 0 : index
    %get3A_0 = arith.constant 0 : index
    %get3A_1 = vector.load %arg1[%get3A, %get3A_0] : memref<1000x128xf32, #tpu.memory_space<vmem>>, vector<1000x128xf32>
    %get3A_2 = arith.constant 0 : index
    %get3A_3 = arith.constant 0 : index
    %get3A_4 = vector.load %arg2[%get3A_2, %get3A_3] : memref<128x128xf32, #tpu.memory_space<vmem>>, vector<128x128xf32>
    %dot_general3A = arith.constant dense<0.000000e+00> : vector<1000x128xf32>
    %dot_general3A_5 = tpu.matmul %get3A_1, %get3A_4, %dot_general3A {dimension_numbers = #tpu.dot_dimension_numbers<[1], [0], [0], [1], [0, 0, 1, 1], [], []>, transpose_lhs_hint = false} : vector<1000x128xf32>, vector<128x128xf32>, vector<1000x128xf32> -> vector<1000x128xf32>
    %swap3A = arith.constant 0 : index
    %swap3A_6 = arith.constant 0 : index
    %swap3A_7 = vector.load %arg3[%swap3A, %swap3A_6] : memref<1000x128xf32, #tpu.memory_space<vmem>>, vector<1000x128xf32>
    tpu.vector_store %arg3[%swap3A, %swap3A_6], %dot_general3A_5 {strides = array<i32>} : memref<1000x128xf32, #tpu.memory_space<vmem>>, vector<1000x128xf32>,
    return
  }
  func.func @transform_0(%arg0: i32) -> (i32, i32) {
    %c0_i32 = arith.constant 0 : i32
    %c0_i32_0 = arith.constant 0 : i32
    return %arg0, %c0_i32 : i32, i32
  }
  func.func @transform_1(%arg0: i32) -> (i32, i32) {
    %c0_i32 = arith.constant 0 : i32
    %c0_i32_0 = arith.constant 0 : i32
    %c0_i32_1 = arith.constant 0 : i32
    return %c0_i32, %c0_i32_0 : i32, i32
  }
  func.func @transform_2(%arg0: i32) -> (i32, i32) {
    %c0_i32 = arith.constant 0 : i32
    %c0_i32_0 = arith.constant 0 : i32
    return %arg0, %c0_i32 : i32, i32
  }
}

module attributes {stable_mosaic.version = 14 : i64} {
  func.func @_hist_body(%arg0: i32, %arg1: memref<1x8192xi32, #tpu.memory_space<vmem>>, %arg2: memref<128x128xf32, #tpu.memory_space<vmem>>) attributes {dimension_semantics = [#tpu.dimension_semantics<arbitrary>], iteration_bounds = array<i64: 40>, scalar_prefetch = 0 : i64, scratch_operands = 0 : i64, tpu.core_type = #tpu.core_type<tc>, window_params = [{transform_indices = @transform_0, window_bounds = array<i64: 1, 8192>}, {pipeline_mode = #tpu.pipeline_mode<synchronous>, transform_indices = @transform_1, window_bounds = array<i64: 128, 128>}]} {
    %get3A = arith.constant 0 : index
    %get3A_0 = arith.constant 0 : index
    %get3A_1 = vector.load %arg1[%get3A, %get3A_0] : memref<1x8192xi32, #tpu.memory_space<vmem>>, vector<1x8192xi32>
    %div3A = arith.constant 128 : i32
    %div3A_2 = vector.broadcast %div3A : i32 to vector<1x8192xi32>
    %div3A_3 = arith.divsi %get3A_1, %div3A_2 : vector<1x8192xi32>
    %mul3A = arith.constant 128 : i32
    %mul3A_4 = vector.broadcast %mul3A : i32 to vector<1x8192xi32>
    %mul3A_5 = arith.muli %div3A_3, %mul3A_4 : vector<1x8192xi32>
    %sub3A = arith.subi %get3A_1, %mul3A_5 : vector<1x8192xi32>
    %iota3A = tpu.iota {dimensions = array<i32: 0>} : vector<128x8192xi32>
    %eq3A = vector.broadcast %div3A_3 : vector<1x8192xi32> to vector<128x8192xi32>
    %eq3A_6 = arith.cmpi eq, %eq3A, %iota3A : vector<128x8192xi32>
    %convert_element_type3A = arith.extui %eq3A_6 : vector<128x8192xi1> to vector<128x8192xi32>
    %convert_element_type3A_7 = arith.sitofp %convert_element_type3A : vector<128x8192xi32> to vector<128x8192xf32>
    %eq3A_8 = vector.broadcast %sub3A : vector<1x8192xi32> to vector<128x8192xi32>
    %eq3A_9 = arith.cmpi eq, %eq3A_8, %iota3A : vector<128x8192xi32>
    %convert_element_type3A_10 = arith.extui %eq3A_9 : vector<128x8192xi1> to vector<128x8192xi32>
    %convert_element_type3A_11 = arith.sitofp %convert_element_type3A_10 : vector<128x8192xi32> to vector<128x8192xf32>
    %eq3A_12 = arith.constant 0 : i32
    %eq3A_13 = arith.cmpi eq, %arg0, %eq3A_12 : i32
    %convert_element_type3A_14 = arith.extui %eq3A_13 : i1 to i32
    %cond3A = arith.constant 0 : i32
    %cond3A_15 = arith.cmpi ne, %convert_element_type3A_14, %cond3A : i32
    scf.if %cond3A_15 {
      %broadcast_in_dim3A = arith.constant 0.000000e+00 : f32
      %broadcast_in_dim3A_22 = vector.broadcast %broadcast_in_dim3A : f32 to vector<128x128xf32>
      %swap3A_23 = arith.constant 0 : index
      %swap3A_24 = arith.constant 0 : index
      %swap3A_25 = vector.load %arg2[%swap3A_23, %swap3A_24] : memref<128x128xf32, #tpu.memory_space<vmem>>, vector<128x128xf32>
      tpu.vector_store %arg2[%swap3A_23, %swap3A_24], %broadcast_in_dim3A_22 {strides = array<i32>} : memref<128x128xf32, #tpu.memory_space<vmem>>, vector<128x128xf32>,
    } else {
    }
    %get3A_16 = arith.constant 0 : index
    %get3A_17 = arith.constant 0 : index
    %get3A_18 = vector.load %arg2[%get3A_16, %get3A_17] : memref<128x128xf32, #tpu.memory_space<vmem>>, vector<128x128xf32>
    %dot_general3A = arith.constant dense<0.000000e+00> : vector<128x128xf32>
    %dot_general3A_19 = tpu.matmul %convert_element_type3A_7, %convert_element_type3A_11, %dot_general3A {dimension_numbers = #tpu.dot_dimension_numbers<[1], [1], [0], [0], [0, 0, 1, 0], [], []>, transpose_lhs_hint = false} : vector<128x8192xf32>, vector<128x8192xf32>, vector<128x128xf32> -> vector<128x128xf32>
    %add3A = arith.addf %get3A_18, %dot_general3A_19 : vector<128x128xf32>
    %swap3A = arith.constant 0 : index
    %swap3A_20 = arith.constant 0 : index
    %swap3A_21 = vector.load %arg2[%swap3A, %swap3A_20] : memref<128x128xf32, #tpu.memory_space<vmem>>, vector<128x128xf32>
    tpu.vector_store %arg2[%swap3A, %swap3A_20], %add3A {strides = array<i32>} : memref<128x128xf32, #tpu.memory_space<vmem>>, vector<128x128xf32>,
    return
  }
  func.func @transform_0(%arg0: i32) -> (i32, i32) {
    %c0_i32 = arith.constant 0 : i32
    %c0_i32_0 = arith.constant 0 : i32
    return %c0_i32, %arg0 : i32, i32
  }
  func.func @transform_1(%arg0: i32) -> (i32, i32) {
    %c0_i32 = arith.constant 0 : i32
    %c0_i32_0 = arith.constant 0 : i32
    %c0_i32_1 = arith.constant 0 : i32
    return %c0_i32, %c0_i32_0 : i32, i32
  }
}

module attributes {stable_mosaic.version = 14 : i64} {
  func.func @_combine0_body(%arg0: i32, %arg1: memref<2x1000x128xf32, #tpu.memory_space<vmem>>, %arg2: memref<1000x128xf32, #tpu.memory_space<vmem>>, %arg3: memref<1000x1xf32, #tpu.memory_space<vmem>>, %arg4: memref<1000x128xf32, #tpu.memory_space<vmem>>, %arg5: memref<1x128xf32, #tpu.memory_space<vmem>>, %arg6: memref<1x128xf32, #tpu.memory_space<vmem>>) attributes {dimension_semantics = [#tpu.dimension_semantics<arbitrary>], iteration_bounds = array<i64: 10>, scalar_prefetch = 0 : i64, scratch_operands = 0 : i64, tpu.core_type = #tpu.core_type<tc>, window_params = [{transform_indices = @transform_0, window_bounds = array<i64: 2, 1000, 128>}, {transform_indices = @transform_1, window_bounds = array<i64: 1000, 128>}, {transform_indices = @transform_2, window_bounds = array<i64: 1000, 1>}, {transform_indices = @transform_3, window_bounds = array<i64: 1000, 128>}, {pipeline_mode = #tpu.pipeline_mode<synchronous>, transform_indices = @transform_4, window_bounds = array<i64: 1, 128>}, {pipeline_mode = #tpu.pipeline_mode<synchronous>, transform_indices = @transform_5, window_bounds = array<i64: 1, 128>}]} {
    %get3A = arith.constant 0 : index
    %get3A_0 = arith.constant 0 : index
    %get3A_1 = vector.load %arg3[%get3A, %get3A_0] : memref<1000x1xf32, #tpu.memory_space<vmem>>, vector<1000x1xf32>
    %add3A = arith.constant 1.000000e+00 : f32
    %add3A_2 = vector.broadcast %add3A : f32 to vector<1000x1xf32>
    %add3A_3 = arith.addf %get3A_1, %add3A_2 : vector<1000x1xf32>
    %get3A_4 = arith.constant 0 : index
    %get3A_5 = arith.constant 0 : index
    %get3A_6 = arith.constant 0 : index
    %get3A_7 = vector.load %arg1[%get3A_4, %get3A_5, %get3A_6] : memref<2x1000x128xf32, #tpu.memory_space<vmem>>, vector<1x1000x128xf32>
    %get3A_8 = vector.shape_cast %get3A_7 : vector<1x1000x128xf32> to vector<1000x128xf32>
    %get3A_9 = arith.constant 1 : index
    %get3A_10 = arith.constant 0 : index
    %get3A_11 = arith.constant 0 : index
    %get3A_12 = vector.load %arg1[%get3A_9, %get3A_10, %get3A_11] : memref<2x1000x128xf32, #tpu.memory_space<vmem>>, vector<1x1000x128xf32>
    %get3A_13 = vector.shape_cast %get3A_12 : vector<1x1000x128xf32> to vector<1000x128xf32>
    %add3A_14 = arith.addf %get3A_8, %get3A_13 : vector<1000x128xf32>
    %get3A_15 = arith.constant 0 : index
    %get3A_16 = arith.constant 0 : index
    %get3A_17 = vector.load %arg2[%get3A_15, %get3A_16] : memref<1000x128xf32, #tpu.memory_space<vmem>>, vector<1000x128xf32>
    %add3A_18 = arith.addf %add3A_14, %get3A_17 : vector<1000x128xf32>
    %div3A = vector.broadcast %add3A_3 : vector<1000x1xf32> to vector<1000x128xf32>
    %div3A_19 = arith.divf %add3A_18, %div3A : vector<1000x128xf32>
    %gt3A = arith.constant 0.000000e+00 : f32
    %gt3A_20 = vector.broadcast %gt3A : f32 to vector<1000x128xf32>
    %gt3A_21 = arith.cmpf ogt, %div3A_19, %gt3A_20 : vector<1000x128xf32>
    %exp3A = math.exp %div3A_19 : vector<1000x128xf32>
    %sub3A = arith.constant 1.000000e+00 : f32
    %sub3A_22 = vector.broadcast %sub3A : f32 to vector<1000x128xf32>
    %sub3A_23 = arith.subf %exp3A, %sub3A_22 : vector<1000x128xf32>
    %select_n3A = arith.select %gt3A_21, %div3A_19, %sub3A_23 : vector<1000x128xi1>, vector<1000x128xf32>
    %swap3A = arith.constant 0 : index
    %swap3A_24 = arith.constant 0 : index
    %swap3A_25 = vector.load %arg4[%swap3A, %swap3A_24] : memref<1000x128xf32, #tpu.memory_space<vmem>>, vector<1000x128xf32>
    tpu.vector_store %arg4[%swap3A, %swap3A_24], %select_n3A {strides = array<i32>} : memref<1000x128xf32, #tpu.memory_space<vmem>>, vector<1000x128xf32>,
    %eq3A = arith.constant 0 : i32
    %eq3A_26 = arith.cmpi eq, %arg0, %eq3A : i32
    %convert_element_type3A = arith.extui %eq3A_26 : i1 to i32
    %cond3A = arith.constant 0 : i32
    %cond3A_27 = arith.cmpi ne, %convert_element_type3A, %cond3A : i32
    scf.if %cond3A_27 {
      %broadcast_in_dim3A_46 = arith.constant 0.000000e+00 : f32
      %broadcast_in_dim3A_47 = vector.broadcast %broadcast_in_dim3A_46 : f32 to vector<1x128xf32>
      %swap3A_48 = arith.constant 0 : index
      %swap3A_49 = arith.constant 0 : index
      %swap3A_50 = vector.load %arg5[%swap3A_48, %swap3A_49] : memref<1x128xf32, #tpu.memory_space<vmem>>, vector<1x128xf32>
      tpu.vector_store %arg5[%swap3A_48, %swap3A_49], %broadcast_in_dim3A_47 {strides = array<i32>} : memref<1x128xf32, #tpu.memory_space<vmem>>, vector<1x128xf32>,
      %broadcast_in_dim3A_51 = arith.constant 0.000000e+00 : f32
      %broadcast_in_dim3A_52 = vector.broadcast %broadcast_in_dim3A_51 : f32 to vector<1x128xf32>
      %swap3A_53 = arith.constant 0 : index
      %swap3A_54 = arith.constant 0 : index
      %swap3A_55 = vector.load %arg6[%swap3A_53, %swap3A_54] : memref<1x128xf32, #tpu.memory_space<vmem>>, vector<1x128xf32>
      tpu.vector_store %arg6[%swap3A_53, %swap3A_54], %broadcast_in_dim3A_52 {strides = array<i32>} : memref<1x128xf32, #tpu.memory_space<vmem>>, vector<1x128xf32>,
    } else {
    }
    %get3A_28 = arith.constant 0 : index
    %get3A_29 = arith.constant 0 : index
    %get3A_30 = vector.load %arg5[%get3A_28, %get3A_29] : memref<1x128xf32, #tpu.memory_space<vmem>>, vector<1x128xf32>
    %reduce_sum3A = arith.constant dense<0.000000e+00> : vector<128xf32>
    %reduce_sum3A_31 = vector.multi_reduction <add>, %select_n3A, %reduce_sum3A [0] : vector<1000x128xf32> to vector<128xf32>
    %broadcast_in_dim3A = vector.shape_cast %reduce_sum3A_31 : vector<128xf32> to vector<1x128xf32>
    %add3A_32 = arith.addf %get3A_30, %broadcast_in_dim3A : vector<1x128xf32>
    %swap3A_33 = arith.constant 0 : index
    %swap3A_34 = arith.constant 0 : index
    %swap3A_35 = vector.load %arg5[%swap3A_33, %swap3A_34] : memref<1x128xf32, #tpu.memory_space<vmem>>, vector<1x128xf32>
    tpu.vector_store %arg5[%swap3A_33, %swap3A_34], %add3A_32 {strides = array<i32>} : memref<1x128xf32, #tpu.memory_space<vmem>>, vector<1x128xf32>,
    %get3A_36 = arith.constant 0 : index
    %get3A_37 = arith.constant 0 : index
    %get3A_38 = vector.load %arg6[%get3A_36, %get3A_37] : memref<1x128xf32, #tpu.memory_space<vmem>>, vector<1x128xf32>
    %mul3A = arith.mulf %select_n3A, %select_n3A : vector<1000x128xf32>
    %reduce_sum3A_39 = arith.constant dense<0.000000e+00> : vector<128xf32>
    %reduce_sum3A_40 = vector.multi_reduction <add>, %mul3A, %reduce_sum3A_39 [0] : vector<1000x128xf32> to vector<128xf32>
    %broadcast_in_dim3A_41 = vector.shape_cast %reduce_sum3A_40 : vector<128xf32> to vector<1x128xf32>
    %add3A_42 = arith.addf %get3A_38, %broadcast_in_dim3A_41 : vector<1x128xf32>
    %swap3A_43 = arith.constant 0 : index
    %swap3A_44 = arith.constant 0 : index
    %swap3A_45 = vector.load %arg6[%swap3A_43, %swap3A_44] : memref<1x128xf32, #tpu.memory_space<vmem>>, vector<1x128xf32>
    tpu.vector_store %arg6[%swap3A_43, %swap3A_44], %add3A_42 {strides = array<i32>} : memref<1x128xf32, #tpu.memory_space<vmem>>, vector<1x128xf32>,
    return
  }
  func.func @transform_0(%arg0: i32) -> (i32, i32, i32) {
    %c0_i32 = arith.constant 0 : i32
    %c0_i32_0 = arith.constant 0 : i32
    %c0_i32_1 = arith.constant 0 : i32
    return %c0_i32, %arg0, %c0_i32_0 : i32, i32, i32
  }
  func.func @transform_1(%arg0: i32) -> (i32, i32) {
    %c0_i32 = arith.constant 0 : i32
    %c0_i32_0 = arith.constant 0 : i32
    return %arg0, %c0_i32 : i32, i32
  }
  func.func @transform_2(%arg0: i32) -> (i32, i32) {
    %c0_i32 = arith.constant 0 : i32
    %c0_i32_0 = arith.constant 0 : i32
    return %arg0, %c0_i32 : i32, i32
  }
  func.func @transform_3(%arg0: i32) -> (i32, i32) {
    %c0_i32 = arith.constant 0 : i32
    %c0_i32_0 = arith.constant 0 : i32
    return %arg0, %c0_i32 : i32, i32
  }
  func.func @transform_4(%arg0: i32) -> (i32, i32) {
    %c0_i32 = arith.constant 0 : i32
    %c0_i32_0 = arith.constant 0 : i32
    %c0_i32_1 = arith.constant 0 : i32
    return %c0_i32, %c0_i32_0 : i32, i32
  }
  func.func @transform_5(%arg0: i32) -> (i32, i32) {
    %c0_i32 = arith.constant 0 : i32
    %c0_i32_0 = arith.constant 0 : i32
    %c0_i32_1 = arith.constant 0 : i32
    return %c0_i32, %c0_i32_0 : i32, i32
  }
}

module attributes {stable_mosaic.version = 14 : i64} {
  func.func @body(%arg0: i32, %arg1: memref<1000x128xf32, #tpu.memory_space<vmem>>, %arg2: memref<1x128xf32, #tpu.memory_space<vmem>>, %arg3: memref<1x128xf32, #tpu.memory_space<vmem>>, %arg4: memref<1x128xf32, #tpu.memory_space<vmem>>, %arg5: memref<1x128xf32, #tpu.memory_space<vmem>>, %arg6: memref<128x128xf32, #tpu.memory_space<vmem>>, %arg7: memref<1000x128xf32, #tpu.memory_space<vmem>>) attributes {dimension_semantics = [#tpu.dimension_semantics<arbitrary>], iteration_bounds = array<i64: 10>, scalar_prefetch = 0 : i64, scratch_operands = 0 : i64, tpu.core_type = #tpu.core_type<tc>, window_params = [{transform_indices = @transform_0, window_bounds = array<i64: 1000, 128>}, {pipeline_mode = #tpu.pipeline_mode<synchronous>, transform_indices = @transform_1, window_bounds = array<i64: 1, 128>}, {pipeline_mode = #tpu.pipeline_mode<synchronous>, transform_indices = @transform_2, window_bounds = array<i64: 1, 128>}, {pipeline_mode = #tpu.pipeline_mode<synchronous>, transform_indices = @transform_3, window_bounds = array<i64: 1, 128>}, {pipeline_mode = #tpu.pipeline_mode<synchronous>, transform_indices = @transform_4, window_bounds = array<i64: 1, 128>}, {pipeline_mode = #tpu.pipeline_mode<synchronous>, transform_indices = @transform_5, window_bounds = array<i64: 128, 128>}, {transform_indices = @transform_6, window_bounds = array<i64: 1000, 128>}]} {
    %get3A = arith.constant 0 : index
    %get3A_0 = arith.constant 0 : index
    %get3A_1 = vector.load %arg2[%get3A, %get3A_0] : memref<1x128xf32, #tpu.memory_space<vmem>>, vector<1x128xf32>
    %div3A = arith.constant 1.000000e+04 : f32
    %div3A_2 = vector.broadcast %div3A : f32 to vector<1x128xf32>
    %div3A_3 = arith.divf %get3A_1, %div3A_2 : vector<1x128xf32>
    %get3A_4 = arith.constant 0 : index
    %get3A_5 = arith.constant 0 : index
    %get3A_6 = vector.load %arg3[%get3A_4, %get3A_5] : memref<1x128xf32, #tpu.memory_space<vmem>>, vector<1x128xf32>
    %div3A_7 = arith.constant 1.000000e+04 : f32
    %div3A_8 = vector.broadcast %div3A_7 : f32 to vector<1x128xf32>
    %div3A_9 = arith.divf %get3A_6, %div3A_8 : vector<1x128xf32>
    %mul3A = arith.mulf %div3A_3, %div3A_3 : vector<1x128xf32>
    %sub3A = arith.subf %div3A_9, %mul3A : vector<1x128xf32>
    %get3A_10 = arith.constant 0 : index
    %get3A_11 = arith.constant 0 : index
    %get3A_12 = vector.load %arg4[%get3A_10, %get3A_11] : memref<1x128xf32, #tpu.memory_space<vmem>>, vector<1x128xf32>
    %add3A = arith.constant 9.99999974E-6 : f32
    %add3A_13 = vector.broadcast %add3A : f32 to vector<1x128xf32>
    %add3A_14 = arith.addf %sub3A, %add3A_13 : vector<1x128xf32>
    %rsqrt3A = math.rsqrt %add3A_14 : vector<1x128xf32>
    %mul3A_15 = arith.mulf %get3A_12, %rsqrt3A : vector<1x128xf32>
    %get3A_16 = arith.constant 0 : index
    %get3A_17 = arith.constant 0 : index
    %get3A_18 = vector.load %arg1[%get3A_16, %get3A_17] : memref<1000x128xf32, #tpu.memory_space<vmem>>, vector<1000x128xf32>
    %sub3A_19 = vector.broadcast %div3A_3 : vector<1x128xf32> to vector<1000x128xf32>
    %sub3A_20 = arith.subf %get3A_18, %sub3A_19 : vector<1000x128xf32>
    %mul3A_21 = vector.broadcast %mul3A_15 : vector<1x128xf32> to vector<1000x128xf32>
    %mul3A_22 = arith.mulf %sub3A_20, %mul3A_21 : vector<1000x128xf32>
    %get3A_23 = arith.constant 0 : index
    %get3A_24 = arith.constant 0 : index
    %get3A_25 = vector.load %arg5[%get3A_23, %get3A_24] : memref<1x128xf32, #tpu.memory_space<vmem>>, vector<1x128xf32>
    %add3A_26 = vector.broadcast %get3A_25 : vector<1x128xf32> to vector<1000x128xf32>
    %add3A_27 = arith.addf %mul3A_22, %add3A_26 : vector<1000x128xf32>
    %max3A = arith.constant 0.000000e+00 : f32
    %max3A_28 = vector.broadcast %max3A : f32 to vector<1000x128xf32>
    %max3A_29 = arith.maximumf %add3A_27, %max3A_28 : vector<1000x128xf32>
    %get3A_30 = arith.constant 0 : index
    %get3A_31 = arith.constant 0 : index
    %get3A_32 = vector.load %arg6[%get3A_30, %get3A_31] : memref<128x128xf32, #tpu.memory_space<vmem>>, vector<128x128xf32>
    %dot_general3A = arith.constant dense<0.000000e+00> : vector<1000x128xf32>
    %dot_general3A_33 = tpu.matmul %max3A_29, %get3A_32, %dot_general3A {dimension_numbers = #tpu.dot_dimension_numbers<[1], [0], [0], [1], [0, 0, 1, 1], [], []>, transpose_lhs_hint = false} : vector<1000x128xf32>, vector<128x128xf32>, vector<1000x128xf32> -> vector<1000x128xf32>
    %swap3A = arith.constant 0 : index
    %swap3A_34 = arith.constant 0 : index
    %swap3A_35 = vector.load %arg7[%swap3A, %swap3A_34] : memref<1000x128xf32, #tpu.memory_space<vmem>>, vector<1000x128xf32>
    tpu.vector_store %arg7[%swap3A, %swap3A_34], %dot_general3A_33 {strides = array<i32>} : memref<1000x128xf32, #tpu.memory_space<vmem>>, vector<1000x128xf32>,
    return
  }
  func.func @transform_0(%arg0: i32) -> (i32, i32) {
    %c0_i32 = arith.constant 0 : i32
    %c0_i32_0 = arith.constant 0 : i32
    return %arg0, %c0_i32 : i32, i32
  }
  func.func @transform_1(%arg0: i32) -> (i32, i32) {
    %c0_i32 = arith.constant 0 : i32
    %c0_i32_0 = arith.constant 0 : i32
    %c0_i32_1 = arith.constant 0 : i32
    return %c0_i32, %c0_i32_0 : i32, i32
  }
  func.func @transform_2(%arg0: i32) -> (i32, i32) {
    %c0_i32 = arith.constant 0 : i32
    %c0_i32_0 = arith.constant 0 : i32
    %c0_i32_1 = arith.constant 0 : i32
    return %c0_i32, %c0_i32_0 : i32, i32
  }
  func.func @transform_3(%arg0: i32) -> (i32, i32) {
    %c0_i32 = arith.constant 0 : i32
    %c0_i32_0 = arith.constant 0 : i32
    %c0_i32_1 = arith.constant 0 : i32
    return %c0_i32, %c0_i32_0 : i32, i32
  }
  func.func @transform_4(%arg0: i32) -> (i32, i32) {
    %c0_i32 = arith.constant 0 : i32
    %c0_i32_0 = arith.constant 0 : i32
    %c0_i32_1 = arith.constant 0 : i32
    return %c0_i32, %c0_i32_0 : i32, i32
  }
  func.func @transform_5(%arg0: i32) -> (i32, i32) {
    %c0_i32 = arith.constant 0 : i32
    %c0_i32_0 = arith.constant 0 : i32
    %c0_i32_1 = arith.constant 0 : i32
    return %c0_i32, %c0_i32_0 : i32, i32
  }
  func.func @transform_6(%arg0: i32) -> (i32, i32) {
    %c0_i32 = arith.constant 0 : i32
    %c0_i32_0 = arith.constant 0 : i32
    return %arg0, %c0_i32 : i32, i32
  }
}

module attributes {stable_mosaic.version = 14 : i64} {
  func.func @_combine1_body(%arg0: i32, %arg1: memref<2x1000x128xf32, #tpu.memory_space<vmem>>, %arg2: memref<1000x128xf32, #tpu.memory_space<vmem>>, %arg3: memref<1000x1xf32, #tpu.memory_space<vmem>>, %arg4: memref<1000x128xf32, #tpu.memory_space<vmem>>) attributes {dimension_semantics = [#tpu.dimension_semantics<arbitrary>], iteration_bounds = array<i64: 10>, scalar_prefetch = 0 : i64, scratch_operands = 0 : i64, tpu.core_type = #tpu.core_type<tc>, window_params = [{transform_indices = @transform_0, window_bounds = array<i64: 2, 1000, 128>}, {transform_indices = @transform_1, window_bounds = array<i64: 1000, 128>}, {transform_indices = @transform_2, window_bounds = array<i64: 1000, 1>}, {transform_indices = @transform_3, window_bounds = array<i64: 1000, 128>}]} {
    %get3A = arith.constant 0 : index
    %get3A_0 = arith.constant 0 : index
    %get3A_1 = vector.load %arg3[%get3A, %get3A_0] : memref<1000x1xf32, #tpu.memory_space<vmem>>, vector<1000x1xf32>
    %add3A = arith.constant 1.000000e+00 : f32
    %add3A_2 = vector.broadcast %add3A : f32 to vector<1000x1xf32>
    %add3A_3 = arith.addf %get3A_1, %add3A_2 : vector<1000x1xf32>
    %get3A_4 = arith.constant 0 : index
    %get3A_5 = arith.constant 0 : index
    %get3A_6 = arith.constant 0 : index
    %get3A_7 = vector.load %arg1[%get3A_4, %get3A_5, %get3A_6] : memref<2x1000x128xf32, #tpu.memory_space<vmem>>, vector<1x1000x128xf32>
    %get3A_8 = vector.shape_cast %get3A_7 : vector<1x1000x128xf32> to vector<1000x128xf32>
    %get3A_9 = arith.constant 1 : index
    %get3A_10 = arith.constant 0 : index
    %get3A_11 = arith.constant 0 : index
    %get3A_12 = vector.load %arg1[%get3A_9, %get3A_10, %get3A_11] : memref<2x1000x128xf32, #tpu.memory_space<vmem>>, vector<1x1000x128xf32>
    %get3A_13 = vector.shape_cast %get3A_12 : vector<1x1000x128xf32> to vector<1000x128xf32>
    %add3A_14 = arith.addf %get3A_8, %get3A_13 : vector<1000x128xf32>
    %get3A_15 = arith.constant 0 : index
    %get3A_16 = arith.constant 0 : index
    %get3A_17 = vector.load %arg2[%get3A_15, %get3A_16] : memref<1000x128xf32, #tpu.memory_space<vmem>>, vector<1000x128xf32>
    %add3A_18 = arith.addf %add3A_14, %get3A_17 : vector<1000x128xf32>
    %div3A = vector.broadcast %add3A_3 : vector<1000x1xf32> to vector<1000x128xf32>
    %div3A_19 = arith.divf %add3A_18, %div3A : vector<1000x128xf32>
    %gt3A = arith.constant 0.000000e+00 : f32
    %gt3A_20 = vector.broadcast %gt3A : f32 to vector<1000x128xf32>
    %gt3A_21 = arith.cmpf ogt, %div3A_19, %gt3A_20 : vector<1000x128xf32>
    %exp3A = math.exp %div3A_19 : vector<1000x128xf32>
    %sub3A = arith.constant 1.000000e+00 : f32
    %sub3A_22 = vector.broadcast %sub3A : f32 to vector<1000x128xf32>
    %sub3A_23 = arith.subf %exp3A, %sub3A_22 : vector<1000x128xf32>
    %select_n3A = arith.select %gt3A_21, %div3A_19, %sub3A_23 : vector<1000x128xi1>, vector<1000x128xf32>
    %swap3A = arith.constant 0 : index
    %swap3A_24 = arith.constant 0 : index
    %swap3A_25 = vector.load %arg4[%swap3A, %swap3A_24] : memref<1000x128xf32, #tpu.memory_space<vmem>>, vector<1000x128xf32>
    tpu.vector_store %arg4[%swap3A, %swap3A_24], %select_n3A {strides = array<i32>} : memref<1000x128xf32, #tpu.memory_space<vmem>>, vector<1000x128xf32>,
    return
  }
  func.func @transform_0(%arg0: i32) -> (i32, i32, i32) {
    %c0_i32 = arith.constant 0 : i32
    %c0_i32_0 = arith.constant 0 : i32
    %c0_i32_1 = arith.constant 0 : i32
    return %c0_i32, %arg0, %c0_i32_0 : i32, i32, i32
  }
  func.func @transform_1(%arg0: i32) -> (i32, i32) {
    %c0_i32 = arith.constant 0 : i32
    %c0_i32_0 = arith.constant 0 : i32
    return %arg0, %c0_i32 : i32, i32
  }
  func.func @transform_2(%arg0: i32) -> (i32, i32) {
    %c0_i32 = arith.constant 0 : i32
    %c0_i32_0 = arith.constant 0 : i32
    return %arg0, %c0_i32 : i32, i32
  }
  func.func @transform_3(%arg0: i32) -> (i32, i32) {
    %c0_i32 = arith.constant 0 : i32
    %c0_i32_0 = arith.constant 0 : i32
    return %arg0, %c0_i32 : i32, i32
  }
}

</mosaic_0001>

<sc_bundles>
// kernel: kernel.12.cloned.1.call-start
scs
__scs_entry_jumppad:
0x0: {  	(pc) =	sbr.rel $0x88, $3  }
0x1: {  	(tag) =	ssettag $0x0;
	lr =	simm.s32 $0x1  }
0x2: {  	[smem:$0x3F9B] =	sst lr;
	_ =	strace $0xD0000000  }
0x3: {  	_ = 	snop  }
0x4: {  	_ = 	snop  }
0x5: {  	_ = 	snop  }
0x6: {  	_ = 	snop  }
0x7: {  	_ = 	snop  }
__scs_overlays_trampoline_lowered:
0x8: {  	[smem:$0x3FAA] =	sst s0  }
0x9: {  	[smem:$0x3FAB] =	sst s1  }
0xa: {  	[smem:$0x3FAC] =	sst s2  }
0xb: {  	[smem:$0x3FAD] =	sst s3  }
0xc: {  	[smem:$0x3FAE] =	sst s4  }
0xd: {  	[smem:$0x3FAF] =	sst s5  }
0xe: {  	[smem:$0x3FB0] =	sst s6  }
0xf: {  	[smem:$0x3FB1] =	sst s7  }
0x10: {  	[smem:$0x3FB2] =	sst s8  }
0x11: {  	[smem:$0x3FB3] =	sst s9;
	s0 =	simm.s32 @!p0 $0x0  }
0x12: {  	s1 =	sld [smem:$0x3F99];
	s0 =	simm.s32 @p0 $0x1  }
0x13: {  	[smem:$0x3FB4] =	sst s0;
	s0 =	simm.s32 @!p1 $0x0  }
0x14: {  	s2 =	sld [smem:$0x3F98];
	s0 =	simm.s32 @p1 $0x1  }
0x15: {  	[smem:$0x3FB5] =	sst s0;
	s0 =	simm.s32 @!p2 $0x0  }
0x16: {  	s3 =	sld [smem:$0x3FDB];
	s0 =	simm.s32 @p2 $0x1  }
0x17: {  	s4 =	simm.s32 $0x1BF5;
	[smem:$0x3FB7] =	sst s0  }
0x18: {  	s0 =	sld [smem:$0x3F9A];
	_ =	swait.ge [sflag:s4], $0x0  }
0x19: {  	s7 =	sld [smem:$0x3F9B]  }
0x1a: {  	s8 =	sadd.s32 $0xFFFFE003, lr  }
0x1b: {  	s9 =	sadd.s32 $0xFFFFFEF7, lr;
	s5 =	simm.s32 $0xFFFFFFFF;
	p2 =	slt.u32 s8, $0xFFFFF086  }
0x1c: {  	p1 =	slt.u32 s9, $0xF7A;
	s5 =	simm.s32 @!p2 $0x0  }
0x1d: {  	s5 =	simm.s32 @p1 $0x1;
	p0 =	seq.s32 s7, s2  }
0x1e: {  	s7 =	smul.u32 @!p0 $0xF7A, s2;
	p2 =	seq.s32 @!p0 s5, $0x0  }
0x1f: {  	s9 =	smul.u32 $0xF7A, s1;
	s8 =	simm.s32 @!p0 $0x1BF5;
	p2 =	por !p2, p0  }
0x20: {  	[sflag:s8] =	ssyncset.s32 @!p0 $0xFFFFF086;
	s6 =	sadd.s32 @!p0 s3, s7;
	s7 =	simm.s32 @!p0 $0x108  }
0x21: {  	s3 =	sadd.s32 s3, s9;
	s6 =	sadd.s32 @!p0 $0x88, s6;
	s7 =	simm.s32 @p2 $0x1082  }
0x22: {  	[simem:s7], [sflag:s8] =	dma.local @!p0 [hbm:s6], $0xF7A  }
0x23: {  	s9 =	sor.u32 $0xD0000000, s2;
	s6 =	simm.s32 $0x108;
	_ =	swait.ge @!p0 [sflag:s8], $0x0  }
0x24: {  	s3 =	sadd.s32 $0x88, s3;
	s6 =	simm.s32 @!p1 $0x1082;
	[sflag:s4] =	ssyncset.s32 $0xFFFFF086  }
0x25: {  	[simem:s6], [sflag:s4] =	dma.local [hbm:s3], $0xF7A  }
0x26: {  	[smem:$0x3F9B] =	sst s1;
	(tag) =	ssettag s2;
	_ =	strace s9  }
0x27: {  	s1 =	sld [smem:$0x3FAB]  }
0x28: {  	s2 =	sld [smem:$0x3FAC]  }
0x29: {  	s4 =	sld [smem:$0x3FAE]  }
0x2a: {  	p0 =	seq.s32 s5, $0x0;
	s5 =	sld [smem:$0x3FAF]  }
0x2b: {  	s6 =	sld [smem:$0x3FB0]  }
0x2c: {  	s7 =	sld [smem:$0x3FB1]  }
0x2d: {  	s3 =	simm.s32 $0x108;
	s8 =	sld [smem:$0x3FB2]  }
0x2e: {  	s3 =	simm.s32 @!p0 $0x1082;
	s9 =	sld [smem:$0x3FB3]  }
0x2f: {  	lr =	sadd.s32 s0, s3;
	s0 =	sld [smem:$0x3FAA]  }
0x30: {  	s3 =	sld [smem:$0x3FAD]  }
0x31: {  	[smem:$0x3FB6] =	sst s10  }
0x32: {  	s10 =	sld [smem:$0x3FB4];
	_ =	sdelay $0x3  }
0x33: {  	p0 =	seq.s32 s10, $0x1;
	s10 =	sld [smem:$0x3FB6];
	_ =	sdelay $0x3  }
0x34: {  	[smem:$0x3FB6] =	sst s10  }
0x35: {  	s10 =	sld [smem:$0x3FB5];
	_ =	sdelay $0x3  }
0x36: {  	p1 =	seq.s32 s10, $0x1;
	s10 =	sld [smem:$0x3FB6];
	_ =	sdelay $0x3  }
0x37: {  	[smem:$0x3FB6] =	sst s10  }
0x38: {  	s10 =	sld [smem:$0x3FB7]  }
0x39: {  	_ = 	snop;
	(pc) =	sbr.ind lr, $3  }
0x3a: {  	_ = 	snop  }
0x3b: {  	_ = 	snop  }
0x3c: {  	p2 =	seq.s32 s10, $0x1;
	s10 =	sld [smem:$0x3FB6]  }
0x3d: {  	_ =	shalt  }
0x3e: {  	_ =	shalt  }
0x3f: {  	_ =	shalt  }
0x40: {  	_ =	shalt  }
0x41: {  	_ =	shalt  }
0x42: {  	_ =	shalt  }
0x43: {  	_ =	shalt  }
0x44: {  	_ =	shalt  }
0x45: {  	_ =	shalt  }
0x46: {  	_ =	shalt  }
0x47: {  	_ =	shalt  }
0x48: {  	_ =	shalt  }
0x49: {  	_ =	shalt  }
0x4a: {  	_ =	shalt  }
0x4b: {  	_ =	shalt  }
0x4c: {  	_ =	shalt  }
0x4d: {  	_ =	shalt  }
0x4e: {  	_ =	shalt  }
0x4f: {  	_ =	shalt  }
0x50: {  	_ =	shalt  }
0x51: {  	_ =	shalt  }
0x52: {  	_ =	shalt  }
0x53: {  	_ =	shalt  }
0x54: {  	_ =	shalt  }
0x55: {  	_ =	shalt  }
0x56: {  	_ =	shalt  }
0x57: {  	_ =	shalt  }
0x58: {  	_ =	shalt  }
0x59: {  	_ =	shalt  }
0x5a: {  	_ =	shalt  }
0x5b: {  	_ =	shalt  }
0x5c: {  	_ =	shalt  }
0x5d: {  	_ =	shalt  }
0x5e: {  	_ =	shalt  }
0x5f: {  	_ =	shalt  }
0x60: {  	_ =	shalt  }
0x61: {  	_ =	shalt  }
0x62: {  	_ =	shalt  }
0x63: {  	_ =	shalt  }
0x64: {  	_ =	shalt  }
0x65: {  	_ =	shalt  }
0x66: {  	_ =	shalt  }
0x67: {  	_ =	shalt  }
0x68: {  	_ =	shalt  }
0x69: {  	_ =	shalt  }
0x6a: {  	_ =	shalt  }
0x6b: {  	_ =	shalt  }
0x6c: {  	_ =	shalt  }
0x6d: {  	_ =	shalt  }
0x6e: {  	_ =	shalt  }
0x6f: {  	_ =	shalt  }
0x70: {  	_ =	shalt  }
0x71: {  	_ =	shalt  }
0x72: {  	_ =	shalt  }
0x73: {  	_ =	shalt  }
0x74: {  	_ =	shalt  }
0x75: {  	_ =	shalt  }
0x76: {  	_ =	shalt  }
0x77: {  	_ =	shalt  }
0x78: {  	_ =	shalt  }
0x79: {  	_ =	shalt  }
0x7a: {  	_ =	shalt  }
0x7b: {  	_ =	shalt  }
0x7c: {  	_ =	shalt  }
0x7d: {  	_ =	shalt  }
0x7e: {  	_ =	shalt  }
0x7f: {  	_ =	shalt  }
0x80: {  	_ =	shalt  }
0x81: {  	_ =	shalt  }
0x82: {  	_ =	shalt  }
0x83: {  	_ =	shalt  }
0x84: {  	_ =	shalt  }
0x85: {  	_ =	shalt  }
0x86: {  	_ =	shalt  }
0x87: {  	_ =	shalt  }
.Lfunc_end0:
.L_simem_size_0:
called_computation.1_lowered:
.L_overlay_start_0:
0x88: {  	s2 =	sld [smem:$0x3FD9]  }
0x89: {  	s3 =	sld [smem:$0x3FFE];
	_ =	sdelay $0x1  }
0x8a: {  	s1 =	srdreg.scid  }
0x8b: {  	s0 =	sand.u32 $0x1, s1  }
0x8c: {  	s17 =	sshll.u32 s0, $0xA;
	s2 =	sadd.s32 s3, s2  }
0x8d: {  	s2 =	sadd.s32 s2, s17  }
0x8e: {  	[smem:$0x3FC2] =	sst s2  }
0x8f: {  	_ = 	snop  }
0x90: {  	s2 =	sld [smem:$0x3FD0];
	(tm) =	ssettm $0x1  }
0x91: {  	s18 =	sld [smem:$0x3FFB];
	_ =	sdelay $0x3  }
0x92: {  	_ =	strace s18  }
0x93: {  	s3 =	sld [smem:$0x3FFC];
	_ =	sdelay $0x3  }
0x94: {  	_ =	strace s3  }
0x95: {  	s3 =	sld [smem:$0x3FFD];
	_ =	sdelay $0x3  }
0x96: {  	_ =	strace s3  }
0x97: {  	_ =	strace $0x8FFFFFFF  }
0x98: {  	s19 =	sld [smem:$0x3FDB];
	_ =	sdelay $0x1  }
0x99: {  	s4 =	simm.s32 $_scs_section_size  }
0x9a: {  	s5 =	simm.s32 $_size__tile_overlayer_lowered;
	s6 =	simm.s32 $_tile_overlayer_lowered  }
0x9b: {  	s22 =	simm.s32 $0x1BFF;
	s21 =	sshll.u32 s6, $0x1;
	s3 =	sadd.s32 s4, s19  }
0x9c: {  	s7 =	simm.s32 $0x0;
	s20 =	sshll.u32 s5, $0x1;
	s5 =	sadd.s32 s21, s3  }
0x9d: {  	[timem:s7], [sflag:s22] =	dma.local [hbm:s5], s20  }
0x9e: {  	_ =	swait.ge [sflag:s22], s20  }
0x9f: {  	s4 =	ssub.s32 $0x0, s20;
	[sflag:s22] =	ssyncset.done $0x0  }
0xa0: {  	[sflag:s22] =	ssyncadd.s32 s4;
	_ =	sdelay $0x1  }
0xa1: {  	s23 =	simm.s32 $0x1B8B  }
0xa2: {  	_ =	swait.ge [sflag:s23], $0x1  }
0xa3: {  	[sflag:s23] =	ssyncset.done $0x0  }
0xa4: {  	s25 =	simm.s32 $0x1B8E;
	s24 =	sld [smem:$0x3FFE];
	[sflag:s23] =	ssyncadd.s32 $0xFFFFFFFF  }
0xa5: {  	s26 =	simm.s32 $execute0_lowered;
	[smem:$0x3FD2] =	sst s25  }
0xa6: {  	s5 =	sshll.u32 s26, $0x1;
	_ =	strace $0x80000049;
	[dreg:$0x1] =	wrdreg $0xFFFFFFFF  }
0xa7: {  	s28 =	simm.s32 $_size_execute0_lowered;
	s3 =	sadd.s32 s3, s5;
	[dreg:$0x0] =	wrdreg $0x0  }
0xa8: {  	s5 =	sshll.u32 s28, $0x1;
	[dreg:$0x2] =	wrdreg s3  }
0xa9: {  	[dreg:$0x3] =	wrdreg s5  }
0xaa: {  	[dreg:$0x4] =	wrdreg $0xC0  }
0xab: {  	_ =	task [dreg:s7], $0x5FFFF  }
0xac: {  	[dreg:$0x1] =	wrdreg $0xFFFFFFFF  }
0xad: {  	[dreg:$0x0] =	wrdreg $0x60  }
0xae: {  	[dreg:$0x2] =	wrdreg s24  }
0xaf: {  	[dreg:$0x3] =	wrdreg s2  }
0xb0: {  	[dreg:$0x4] =	wrdreg $0xA0000  }
0xb1: {  	[dreg:$0x5] =	wrdreg $0x9  }
0xb2: {  	_ =	task.clear_ibuf [dreg:s7], $0x6FFFF;
	_ =	strace $0x90000049  }
0xb3: {  	s29 =	simm.s32 $0x9;
	_ =	strace $0x8000004B  }
0xb4: {  	_ =	swait.ge [sflag:s29], $0x1  }
0xb5: {  	[sflag:s29] =	ssyncadd.s32 $0xFFFFFFFF  }
0xb6: {  	_ =	strace $0x9000004B  }
0xb7: {  	_ =	sfence  }
0xb8: {  	s30 =	sld [smem:$0x0];
	_ =	sdelay $0x2  }
0xb9: {  	s31 =	sshll.u32 s1, $0xD;
	s1 =	sshrl.u32 s1, $0x2  }
0xba: {  	s3 =	sand.u32 $0x4000, s31;
	s1 =	sadd.s32 s1, s30  }
0xbb: {  	s0 =	sor.u32 s3, s0;
	s1 =	sshll.u32 s1, $0x11  }
0xbc: {  	s0 =	sor.u32 s1, s0  }
0xbd: {  	s0 =	sadd.s32 $0x8F2B, s0  }
0xbe: {  	[sflag:s0] =	ssyncadd.remote.s32 $0x1  }
0xbf: {  	_ =	sfence.sel $0xFFFF  }
0xc0: {  	[dreg:$0x0] =	wrdreg $0xFFFFFFFF;
	(pc) =	sbr.abs _section_cstart, $3  }
0xc1: {  	[dreg:$0x1] =	wrdreg $0xFFFFFFFF  }
0xc2: {  	_ =	task.clear_ibuf [dreg:s7], $0x2FFFF;
	_ =	strace $0x9FFFFFFF  }
0xc3: {  	(tm) =	ssettm $0x7FFFFFFF  }
tec
execute0_lowered:
.L_overlay_start_1:
0x0: {  	(tag) =	ssettag $0x1  }
0x1: {  	s6 =	rddreg [dreg:$0x0]  }
0x2: {  	s1 =	rddreg [dreg:$0x1]  }
0x3: {  	s3 =	rddreg [dreg:$0x2];
	s2 =	srdreg.scid  }
0x4: {  	s0 =	rddreg [dreg:$0x3];
	s4 =	simm.s32 $0x0;
	s14 =	simm.s32 $0x80  }
0x5: {  	s15 =	simm.s32 $0x6000;
	s7 =	sand.u32 $0x1, s2;
	s2 =	stileid.u32  }
0x6: {  	s16 =	simm.s32 $0x0;
	[smem:$0x7FF] =	sst s4;
	s8 =	smul.u32 $0x13C000, s7  }
0x7: {  	s5 =	sshll.u32 s7, $0x4;
	s9 =	smul.u32 $0x13C00, s2;
	_ =	strace $0x8000004A  }
0x8: {  	s30 =	ssub.s32 $0x2, s7;
	s11 =	smul.u32 $0x4F000, s2;
	p0 =	seq.s32 s7, $0x0  }
0x9: {  	s31 =	sshll.u32 s2, $0x6;
	s5 =	sor.u32 s2, s5;
	s12 =	sshrl.u32 s30, $0x1  }
0xa: {  	s5 =	smul.u32 $0x600, s5;
	s8 =	sadd.s32 s9, s8;
	s11 =	sshrl.u32 s11, $0x2  }
0xb: {  	s12 =	ssub.s32 s30, s12;
	s8 =	sshrl.u32 s8, $0x3;
	s13 =	sadd.s32 s11, s3  }
0xc: {  	s11 =	simm.s32 $0x1;
	s29 =	sadd.s32 s5, s6;
	s5 =	sadd.s32 $0x19A00, s6  }
0xd: {  	s10 =	sadd.s32 s8, s6;
	s6 =	simm.s32 $0x5C;
	s13 =	sshrl.u32 s13, $0x3  }
0xe: {  	s6 =	simm.s32 @!p0 $0x41;
	s7 =	sadd.s32 $0xDA00, s29;
	s8 =	sadd.s32 $0x1A00, s29  }
0xf: {  	s9 =	sadd.s32 $0x1C200, s10;
	s10 =	smax.u32 s12, $0x1;
	s12 =	sor.u32 $0x1C01, s31  }
.LBB2_1:
0x10: {  	[tilespmem:s4], [sflag:$0x1] =	stream.linear.gather [hbm4b:s7+s4], $0x2E00, $0x38;
	[tilespmem:$0x1DC00] =	vst v63  }
0x11: {  	_ =	swait.ge [sflag:s11], $0x2E00  }
0x12: {  	[sflag:s11] =	ssyncset.done $0x0  }
0x13: {  	s17 =	simm.s32 $0x3000;
	[sflag:s11] =	ssyncadd.s32 $0xFFFFD200  }
0x14: {  	[tilespmem:s17], [sflag:$0x1] =	stream.linear.gather [hbm4b:s8+s4], $0x2E00, $0x38;
	[tilespmem:$0x1DC00] =	vst v63  }
0x15: {  	_ =	swait.ge [sflag:s11], $0x2E00  }
0x16: {  	[sflag:s11] =	ssyncset.done $0x0  }
0x17: {  	[sflag:s11] =	ssyncadd.s32 $0xFFFFD200  }
0x18: {  	[spmem:s13], [sflag:s12] =	dma.local [hbm:s5], $0x2780  }
0x19: {  	_ =	swait.ge [sflag:s11], $0x2780  }
0x1a: {  	[sflag:s11] =	ssyncset.done $0x0  }
0x1b: {  	[sflag:s11] =	ssyncadd.s32 $0xFFFFD880  }
0x1c: {  	[bflag:$0x0] =	sbarrier.arrive $0xFFFF  }
0x1d: {  	[tilespmem:s15], [sflag:$0x1] =	stream.indirect.gather [hbm4b:s1+s14], $0x80, s17, s14, $0xb8;
	[tilespmem:$0x1DC00] =	vst v63  }
0x1e: {  	p0 =	sne.s32 s6, $0x1;
	_ =	swait.ge [sflag:s11], $0x4000  }
.Ltmp0:
0x1f: {  	[sflag:s11] =	ssyncset.done $0x0;
	(pc) =	sbr.rel @!p0 .LBB2_3-.Ltmp0, $4  }
0x20: {  	[sflag:s11] =	ssyncadd.s32 $0xFFFFC000  }
0x21: {  	[spmem:s3] =	stream.indirect.scatter.add.f32 [tilespmem:s15], [sflag:$0x1], $0x80, s4, s14, $0xb8;
	[tilespmem:$0x1DC00] =	vst v63  }
0x22: {  	_ =	swait.ge [sflag:s11], $0x4000  }
0x23: {  	s18 =	sadd.s32 $0xFFFFFFFF, s6;
	s19 =	simm.s32 $0x0;
	[sflag:s11] =	ssyncset.done $0x0  }
.LBB2_2:
0x24: {  	[sflag:s11] =	ssyncadd.s32 $0xFFFFC000;
	s17 =	sadd.s32 $0x80, s17;
	s19 =	sadd.s32 $0x80, s19  }
0x25: {  	[tilespmem:s15], [sflag:$0x1] =	stream.indirect.gather [hbm4b:s1+s14], $0x80, s17, s14, $0xb8;
	[tilespmem:$0x1DC00] =	vst v63  }
0x26: {  	p0 =	sne.s32 s18, $0x1;
	s18 =	sadd.s32 $0xFFFFFFFF, s18;
	_ =	swait.ge [sflag:s11], $0x4000  }
.Ltmp1:
0x27: {  	[sflag:s11] =	ssyncset.done $0x0;
	(pc) =	sbr.rel @p0 .LBB2_2-.Ltmp1, $4  }
0x28: {  	[sflag:s11] =	ssyncadd.s32 $0xFFFFC000  }
0x29: {  	[spmem:s3] =	stream.indirect.scatter.add.f32 [tilespmem:s15], [sflag:$0x1], $0x80, s19, s14, $0xb8;
	[tilespmem:$0x1DC00] =	vst v63  }
0x2a: {  	_ =	swait.ge [sflag:s11], $0x4000  }
0x2b: {  	[sflag:s11] =	ssyncset.done $0x0  }
.LBB2_3:
0x2c: {  	s16 =	sadd.s32 $0x1, s16  }
0x2d: {  	[sflag:s11] =	ssyncadd.s32 $0xFFFFC000;
	p0 =	sne.s32 s16, s10  }
.Ltmp2:
0x2e: {  	[bflag:$0x0] =	sbarrier.arrive $0xFFFF;
	(pc) =	sbr.rel @p0 .LBB2_1-.Ltmp2, $4  }
0x2f: {  	[hbm:s9], [sflag:s12] =	dma.local [spmem:s13], $0x2780  }
0x30: {  	_ =	swait.ge [sflag:s11], $0x2780  }
0x31: {  	[sflag:s11] =	ssyncset.done $0x0  }
0x32: {  	[sflag:s11] =	ssyncadd.s32 $0xFFFFD880  }
0x33: {  	_ =	sfence.sel $0x180000  }
0x34: {  	[bflag:$0x0] =	sbarrier.arrive $0xFFFF  }
0x35: {  	p0 =	sne.s32 s2, $0x0;
	_ =	strace $0x9000004A  }
0x36: {  	s0 =	sadd.s32 @!p0 $0x100000, s0;
	[bflag:$0x2] =	sbarrier.arrive $0xFFFF  }
0x37: {  	[sflag:s0] =	ssyncadd.tile.s32 @!p0 $0x1;
	_ =	shalt  }
.Lfunc_end2:
_tile_overlayer_lowered:
.L_overlay_start_2:
0x38: {  	(tag) =	ssettag $0x2  }
0x39: {  	s0 =	rddreg [dreg:$0x0];
	s2 =	stileid.u32  }
0x3a: {  	s1 =	rddreg [dreg:$0x1];
	p0 =	sne.s32 s2, $0x0  }
0x3b: {  	s3 =	rddreg [dreg:$0x2];
	[bflag:$0x3] =	sbarrier.arrive $0xFFFF;
	s2 =	simm.s32 @!p0 $0x1C01  }
0x3c: {  	[timem:s3], [sflag:s2] =	dma.local @!p0 [hbm:s0], s1  }
0x3d: {  	s0 =	simm.s32 @!p0 $0x1  }
0x3e: {  	_ =	swait.ge @!p0 [sflag:s0], s1  }
0x3f: {  	s1 =	ssub.s32 @!p0 $0x0, s1;
	[sflag:s0] =	ssyncset.done @!p0 $0x0  }
0x40: {  	[sflag:s0] =	ssyncadd.s32 @!p0 s1  }
0x41: {  	[bflag:$0x3] =	sbarrier.arrive $0xFFFF  }
0x42: {  	_ =	shalt  }

// kernel: kernel.9.cloned.1.call-start
scs
__scs_entry_jumppad:
0x0: {  	(pc) =	sbr.rel $0x88, $3  }
0x1: {  	(tag) =	ssettag $0x0;
	lr =	simm.s32 $0x1  }
0x2: {  	[smem:$0x3F9B] =	sst lr;
	_ =	strace $0xD0000000  }
0x3: {  	_ = 	snop  }
0x4: {  	_ = 	snop  }
0x5: {  	_ = 	snop  }
0x6: {  	_ = 	snop  }
0x7: {  	_ = 	snop  }
__scs_overlays_trampoline_lowered:
0x8: {  	[smem:$0x3FAA] =	sst s0  }
0x9: {  	[smem:$0x3FAB] =	sst s1  }
0xa: {  	[smem:$0x3FAC] =	sst s2  }
0xb: {  	[smem:$0x3FAD] =	sst s3  }
0xc: {  	[smem:$0x3FAE] =	sst s4  }
0xd: {  	[smem:$0x3FAF] =	sst s5  }
0xe: {  	[smem:$0x3FB0] =	sst s6  }
0xf: {  	[smem:$0x3FB1] =	sst s7  }
0x10: {  	[smem:$0x3FB2] =	sst s8  }
0x11: {  	[smem:$0x3FB3] =	sst s9;
	s0 =	simm.s32 @!p0 $0x0  }
0x12: {  	s1 =	sld [smem:$0x3F99];
	s0 =	simm.s32 @p0 $0x1  }
0x13: {  	[smem:$0x3FB4] =	sst s0;
	s0 =	simm.s32 @!p1 $0x0  }
0x14: {  	s2 =	sld [smem:$0x3F98];
	s0 =	simm.s32 @p1 $0x1  }
0x15: {  	[smem:$0x3FB5] =	sst s0;
	s0 =	simm.s32 @!p2 $0x0  }
0x16: {  	s3 =	sld [smem:$0x3FDB];
	s0 =	simm.s32 @p2 $0x1  }
0x17: {  	s4 =	simm.s32 $0x1BF5;
	[smem:$0x3FB7] =	sst s0  }
0x18: {  	s0 =	sld [smem:$0x3F9A];
	_ =	swait.ge [sflag:s4], $0x0  }
0x19: {  	s7 =	sld [smem:$0x3F9B]  }
0x1a: {  	s8 =	sadd.s32 $0xFFFFE003, lr  }
0x1b: {  	s9 =	sadd.s32 $0xFFFFFEF7, lr;
	s5 =	simm.s32 $0xFFFFFFFF;
	p2 =	slt.u32 s8, $0xFFFFF086  }
0x1c: {  	p1 =	slt.u32 s9, $0xF7A;
	s5 =	simm.s32 @!p2 $0x0  }
0x1d: {  	s5 =	simm.s32 @p1 $0x1;
	p0 =	seq.s32 s7, s2  }
0x1e: {  	s7 =	smul.u32 @!p0 $0xF7A, s2;
	p2 =	seq.s32 @!p0 s5, $0x0  }
0x1f: {  	s9 =	smul.u32 $0xF7A, s1;
	s8 =	simm.s32 @!p0 $0x1BF5;
	p2 =	por !p2, p0  }
0x20: {  	[sflag:s8] =	ssyncset.s32 @!p0 $0xFFFFF086;
	s6 =	sadd.s32 @!p0 s3, s7;
	s7 =	simm.s32 @!p0 $0x108  }
0x21: {  	s3 =	sadd.s32 s3, s9;
	s6 =	sadd.s32 @!p0 $0x88, s6;
	s7 =	simm.s32 @p2 $0x1082  }
0x22: {  	[simem:s7], [sflag:s8] =	dma.local @!p0 [hbm:s6], $0xF7A  }
0x23: {  	s9 =	sor.u32 $0xD0000000, s2;
	s6 =	simm.s32 $0x108;
	_ =	swait.ge @!p0 [sflag:s8], $0x0  }
0x24: {  	s3 =	sadd.s32 $0x88, s3;
	s6 =	simm.s32 @!p1 $0x1082;
	[sflag:s4] =	ssyncset.s32 $0xFFFFF086  }
0x25: {  	[simem:s6], [sflag:s4] =	dma.local [hbm:s3], $0xF7A  }
0x26: {  	[smem:$0x3F9B] =	sst s1;
	(tag) =	ssettag s2;
	_ =	strace s9  }
0x27: {  	s1 =	sld [smem:$0x3FAB]  }
0x28: {  	s2 =	sld [smem:$0x3FAC]  }
0x29: {  	s4 =	sld [smem:$0x3FAE]  }
0x2a: {  	p0 =	seq.s32 s5, $0x0;
	s5 =	sld [smem:$0x3FAF]  }
0x2b: {  	s6 =	sld [smem:$0x3FB0]  }
0x2c: {  	s7 =	sld [smem:$0x3FB1]  }
0x2d: {  	s3 =	simm.s32 $0x108;
	s8 =	sld [smem:$0x3FB2]  }
0x2e: {  	s3 =	simm.s32 @!p0 $0x1082;
	s9 =	sld [smem:$0x3FB3]  }
0x2f: {  	lr =	sadd.s32 s0, s3;
	s0 =	sld [smem:$0x3FAA]  }
0x30: {  	s3 =	sld [smem:$0x3FAD]  }
0x31: {  	[smem:$0x3FB6] =	sst s10  }
0x32: {  	s10 =	sld [smem:$0x3FB4];
	_ =	sdelay $0x3  }
0x33: {  	p0 =	seq.s32 s10, $0x1;
	s10 =	sld [smem:$0x3FB6];
	_ =	sdelay $0x3  }
0x34: {  	[smem:$0x3FB6] =	sst s10  }
0x35: {  	s10 =	sld [smem:$0x3FB5];
	_ =	sdelay $0x3  }
0x36: {  	p1 =	seq.s32 s10, $0x1;
	s10 =	sld [smem:$0x3FB6];
	_ =	sdelay $0x3  }
0x37: {  	[smem:$0x3FB6] =	sst s10  }
0x38: {  	s10 =	sld [smem:$0x3FB7]  }
0x39: {  	_ = 	snop;
	(pc) =	sbr.ind lr, $3  }
0x3a: {  	_ = 	snop  }
0x3b: {  	_ = 	snop  }
0x3c: {  	p2 =	seq.s32 s10, $0x1;
	s10 =	sld [smem:$0x3FB6]  }
0x3d: {  	_ =	shalt  }
0x3e: {  	_ =	shalt  }
0x3f: {  	_ =	shalt  }
0x40: {  	_ =	shalt  }
0x41: {  	_ =	shalt  }
0x42: {  	_ =	shalt  }
0x43: {  	_ =	shalt  }
0x44: {  	_ =	shalt  }
0x45: {  	_ =	shalt  }
0x46: {  	_ =	shalt  }
0x47: {  	_ =	shalt  }
0x48: {  	_ =	shalt  }
0x49: {  	_ =	shalt  }
0x4a: {  	_ =	shalt  }
0x4b: {  	_ =	shalt  }
0x4c: {  	_ =	shalt  }
0x4d: {  	_ =	shalt  }
0x4e: {  	_ =	shalt  }
0x4f: {  	_ =	shalt  }
0x50: {  	_ =	shalt  }
0x51: {  	_ =	shalt  }
0x52: {  	_ =	shalt  }
0x53: {  	_ =	shalt  }
0x54: {  	_ =	shalt  }
0x55: {  	_ =	shalt  }
0x56: {  	_ =	shalt  }
0x57: {  	_ =	shalt  }
0x58: {  	_ =	shalt  }
0x59: {  	_ =	shalt  }
0x5a: {  	_ =	shalt  }
0x5b: {  	_ =	shalt  }
0x5c: {  	_ =	shalt  }
0x5d: {  	_ =	shalt  }
0x5e: {  	_ =	shalt  }
0x5f: {  	_ =	shalt  }
0x60: {  	_ =	shalt  }
0x61: {  	_ =	shalt  }
0x62: {  	_ =	shalt  }
0x63: {  	_ =	shalt  }
0x64: {  	_ =	shalt  }
0x65: {  	_ =	shalt  }
0x66: {  	_ =	shalt  }
0x67: {  	_ =	shalt  }
0x68: {  	_ =	shalt  }
0x69: {  	_ =	shalt  }
0x6a: {  	_ =	shalt  }
0x6b: {  	_ =	shalt  }
0x6c: {  	_ =	shalt  }
0x6d: {  	_ =	shalt  }
0x6e: {  	_ =	shalt  }
0x6f: {  	_ =	shalt  }
0x70: {  	_ =	shalt  }
0x71: {  	_ =	shalt  }
0x72: {  	_ =	shalt  }
0x73: {  	_ =	shalt  }
0x74: {  	_ =	shalt  }
0x75: {  	_ =	shalt  }
0x76: {  	_ =	shalt  }
0x77: {  	_ =	shalt  }
0x78: {  	_ =	shalt  }
0x79: {  	_ =	shalt  }
0x7a: {  	_ =	shalt  }
0x7b: {  	_ =	shalt  }
0x7c: {  	_ =	shalt  }
0x7d: {  	_ =	shalt  }
0x7e: {  	_ =	shalt  }
0x7f: {  	_ =	shalt  }
0x80: {  	_ =	shalt  }
0x81: {  	_ =	shalt  }
0x82: {  	_ =	shalt  }
0x83: {  	_ =	shalt  }
0x84: {  	_ =	shalt  }
0x85: {  	_ =	shalt  }
0x86: {  	_ =	shalt  }
0x87: {  	_ =	shalt  }
.Lfunc_end0:
.L_simem_size_0:
called_computation_lowered:
.L_overlay_start_0:
0x88: {  	s2 =	sld [smem:$0x3FD9]  }
0x89: {  	s3 =	sld [smem:$0x3FFE];
	_ =	sdelay $0x1  }
0x8a: {  	s1 =	srdreg.scid  }
0x8b: {  	s0 =	sand.u32 $0x1, s1  }
0x8c: {  	s17 =	sshll.u32 s0, $0xA;
	s2 =	sadd.s32 s3, s2  }
0x8d: {  	s2 =	sadd.s32 s2, s17  }
0x8e: {  	[smem:$0x3FC2] =	sst s2  }
0x8f: {  	_ = 	snop  }
0x90: {  	s2 =	sld [smem:$0x3FD0];
	(tm) =	ssettm $0x1  }
0x91: {  	s18 =	sld [smem:$0x3FFB];
	_ =	sdelay $0x3  }
0x92: {  	_ =	strace s18  }
0x93: {  	s3 =	sld [smem:$0x3FFC];
	_ =	sdelay $0x3  }
0x94: {  	_ =	strace s3  }
0x95: {  	s3 =	sld [smem:$0x3FFD];
	_ =	sdelay $0x3  }
0x96: {  	_ =	strace s3  }
0x97: {  	_ =	strace $0x8FFFFFFF  }
0x98: {  	s19 =	sld [smem:$0x3FDB];
	_ =	sdelay $0x1  }
0x99: {  	s4 =	simm.s32 $_scs_section_size  }
0x9a: {  	s5 =	simm.s32 $_size__tile_overlayer_lowered;
	s6 =	simm.s32 $_tile_overlayer_lowered  }
0x9b: {  	s22 =	simm.s32 $0x1BFF;
	s21 =	sshll.u32 s6, $0x1;
	s3 =	sadd.s32 s4, s19  }
0x9c: {  	s7 =	simm.s32 $0x0;
	s20 =	sshll.u32 s5, $0x1;
	s5 =	sadd.s32 s21, s3  }
0x9d: {  	[timem:s7], [sflag:s22] =	dma.local [hbm:s5], s20  }
0x9e: {  	_ =	swait.ge [sflag:s22], s20  }
0x9f: {  	s4 =	ssub.s32 $0x0, s20;
	[sflag:s22] =	ssyncset.done $0x0  }
0xa0: {  	[sflag:s22] =	ssyncadd.s32 s4;
	_ =	sdelay $0x1  }
0xa1: {  	s23 =	simm.s32 $0x1B8B  }
0xa2: {  	_ =	swait.ge [sflag:s23], $0x1  }
0xa3: {  	[sflag:s23] =	ssyncset.done $0x0  }
0xa4: {  	s25 =	simm.s32 $0x1B8E;
	s24 =	sld [smem:$0x3FFE];
	[sflag:s23] =	ssyncadd.s32 $0xFFFFFFFF  }
0xa5: {  	s26 =	simm.s32 $execute0_lowered;
	[smem:$0x3FD2] =	sst s25  }
0xa6: {  	s5 =	sshll.u32 s26, $0x1;
	_ =	strace $0x80000046;
	[dreg:$0x1] =	wrdreg $0xFFFFFFFF  }
0xa7: {  	s28 =	simm.s32 $_size_execute0_lowered;
	s3 =	sadd.s32 s3, s5;
	[dreg:$0x0] =	wrdreg $0x0  }
0xa8: {  	s5 =	sshll.u32 s28, $0x1;
	[dreg:$0x2] =	wrdreg s3  }
0xa9: {  	[dreg:$0x3] =	wrdreg s5  }
0xaa: {  	[dreg:$0x4] =	wrdreg $0xC0  }
0xab: {  	_ =	task [dreg:s7], $0x5FFFF  }
0xac: {  	[dreg:$0x1] =	wrdreg $0xFFFFFFFF  }
0xad: {  	[dreg:$0x0] =	wrdreg $0x60  }
0xae: {  	[dreg:$0x2] =	wrdreg s24  }
0xaf: {  	[dreg:$0x3] =	wrdreg s2  }
0xb0: {  	[dreg:$0x4] =	wrdreg $0xA0000  }
0xb1: {  	[dreg:$0x5] =	wrdreg $0x9  }
0xb2: {  	_ =	task.clear_ibuf [dreg:s7], $0x6FFFF;
	_ =	strace $0x90000046  }
0xb3: {  	s29 =	simm.s32 $0x9;
	_ =	strace $0x80000048  }
0xb4: {  	_ =	swait.ge [sflag:s29], $0x1  }
0xb5: {  	[sflag:s29] =	ssyncadd.s32 $0xFFFFFFFF  }
0xb6: {  	_ =	strace $0x90000048  }
0xb7: {  	_ =	sfence  }
0xb8: {  	s30 =	sld [smem:$0x0];
	_ =	sdelay $0x2  }
0xb9: {  	s31 =	sshll.u32 s1, $0xD;
	s1 =	sshrl.u32 s1, $0x2  }
0xba: {  	s3 =	sand.u32 $0x4000, s31;
	s1 =	sadd.s32 s1, s30  }
0xbb: {  	s0 =	sor.u32 s3, s0;
	s1 =	sshll.u32 s1, $0x11  }
0xbc: {  	s0 =	sor.u32 s1, s0  }
0xbd: {  	s0 =	sadd.s32 $0x8F2B, s0  }
0xbe: {  	[sflag:s0] =	ssyncadd.remote.s32 $0x1  }
0xbf: {  	_ =	sfence.sel $0xFFFF  }
0xc0: {  	[dreg:$0x0] =	wrdreg $0xFFFFFFFF;
	(pc) =	sbr.abs _section_cstart, $3  }
0xc1: {  	[dreg:$0x1] =	wrdreg $0xFFFFFFFF  }
0xc2: {  	_ =	task.clear_ibuf [dreg:s7], $0x2FFFF;
	_ =	strace $0x9FFFFFFF  }
0xc3: {  	(tm) =	ssettm $0x7FFFFFFF  }
tec
execute0_lowered:
.L_overlay_start_1:
0x0: {  	(tag) =	ssettag $0x1  }
0x1: {  	s6 =	rddreg [dreg:$0x0]  }
0x2: {  	s1 =	rddreg [dreg:$0x1]  }
0x3: {  	s3 =	rddreg [dreg:$0x2];
	s2 =	srdreg.scid  }
0x4: {  	s0 =	rddreg [dreg:$0x3];
	s4 =	simm.s32 $0x0;
	s14 =	simm.s32 $0x80  }
0x5: {  	s15 =	simm.s32 $0x6000;
	s7 =	sand.u32 $0x1, s2;
	s2 =	stileid.u32  }
0x6: {  	s16 =	simm.s32 $0x0;
	[smem:$0x7FF] =	sst s4;
	s8 =	smul.u32 $0x13C000, s7  }
0x7: {  	s5 =	sshll.u32 s7, $0x4;
	s9 =	smul.u32 $0x13C00, s2;
	_ =	strace $0x80000047  }
0x8: {  	s30 =	ssub.s32 $0x2, s7;
	s11 =	smul.u32 $0x4F000, s2;
	p0 =	seq.s32 s7, $0x0  }
0x9: {  	s31 =	sshll.u32 s2, $0x6;
	s5 =	sor.u32 s2, s5;
	s12 =	sshrl.u32 s30, $0x1  }
0xa: {  	s5 =	smul.u32 $0x600, s5;
	s8 =	sadd.s32 s9, s8;
	s11 =	sshrl.u32 s11, $0x2  }
0xb: {  	s12 =	ssub.s32 s30, s12;
	s8 =	sshrl.u32 s8, $0x3;
	s13 =	sadd.s32 s11, s3  }
0xc: {  	s11 =	simm.s32 $0x1;
	s29 =	sadd.s32 s5, s6;
	s5 =	sadd.s32 $0x19A00, s6  }
0xd: {  	s10 =	sadd.s32 s8, s6;
	s6 =	simm.s32 $0x5C;
	s13 =	sshrl.u32 s13, $0x3  }
0xe: {  	s6 =	simm.s32 @!p0 $0x41;
	s7 =	sadd.s32 $0xDA00, s29;
	s8 =	sadd.s32 $0x1A00, s29  }
0xf: {  	s9 =	sadd.s32 $0x1C200, s10;
	s10 =	smax.u32 s12, $0x1;
	s12 =	sor.u32 $0x1C01, s31  }
.LBB2_1:
0x10: {  	[tilespmem:s4], [sflag:$0x1] =	stream.linear.gather [hbm4b:s7+s4], $0x2E00, $0x38;
	[tilespmem:$0x1DC00] =	vst v63  }
0x11: {  	_ =	swait.ge [sflag:s11], $0x2E00  }
0x12: {  	[sflag:s11] =	ssyncset.done $0x0  }
0x13: {  	s17 =	simm.s32 $0x3000;
	[sflag:s11] =	ssyncadd.s32 $0xFFFFD200  }
0x14: {  	[tilespmem:s17], [sflag:$0x1] =	stream.linear.gather [hbm4b:s8+s4], $0x2E00, $0x38;
	[tilespmem:$0x1DC00] =	vst v63  }
0x15: {  	_ =	swait.ge [sflag:s11], $0x2E00  }
0x16: {  	[sflag:s11] =	ssyncset.done $0x0  }
0x17: {  	[sflag:s11] =	ssyncadd.s32 $0xFFFFD200  }
0x18: {  	[spmem:s13], [sflag:s12] =	dma.local [hbm:s5], $0x2780  }
0x19: {  	_ =	swait.ge [sflag:s11], $0x2780  }
0x1a: {  	[sflag:s11] =	ssyncset.done $0x0  }
0x1b: {  	[sflag:s11] =	ssyncadd.s32 $0xFFFFD880  }
0x1c: {  	[bflag:$0x0] =	sbarrier.arrive $0xFFFF  }
0x1d: {  	[tilespmem:s15], [sflag:$0x1] =	stream.indirect.gather [hbm4b:s1+s14], $0x80, s17, s14, $0xb8;
	[tilespmem:$0x1DC00] =	vst v63  }
0x1e: {  	p0 =	sne.s32 s6, $0x1;
	_ =	swait.ge [sflag:s11], $0x4000  }
.Ltmp0:
0x1f: {  	[sflag:s11] =	ssyncset.done $0x0;
	(pc) =	sbr.rel @!p0 .LBB2_3-.Ltmp0, $4  }
0x20: {  	[sflag:s11] =	ssyncadd.s32 $0xFFFFC000  }
0x21: {  	[spmem:s3] =	stream.indirect.scatter.add.f32 [tilespmem:s15], [sflag:$0x1], $0x80, s4, s14, $0xb8;
	[tilespmem:$0x1DC00] =	vst v63  }
0x22: {  	_ =	swait.ge [sflag:s11], $0x4000  }
0x23: {  	s18 =	sadd.s32 $0xFFFFFFFF, s6;
	s19 =	simm.s32 $0x0;
	[sflag:s11] =	ssyncset.done $0x0  }
.LBB2_2:
0x24: {  	[sflag:s11] =	ssyncadd.s32 $0xFFFFC000;
	s17 =	sadd.s32 $0x80, s17;
	s19 =	sadd.s32 $0x80, s19  }
0x25: {  	[tilespmem:s15], [sflag:$0x1] =	stream.indirect.gather [hbm4b:s1+s14], $0x80, s17, s14, $0xb8;
	[tilespmem:$0x1DC00] =	vst v63  }
0x26: {  	p0 =	sne.s32 s18, $0x1;
	s18 =	sadd.s32 $0xFFFFFFFF, s18;
	_ =	swait.ge [sflag:s11], $0x4000  }
.Ltmp1:
0x27: {  	[sflag:s11] =	ssyncset.done $0x0;
	(pc) =	sbr.rel @p0 .LBB2_2-.Ltmp1, $4  }
0x28: {  	[sflag:s11] =	ssyncadd.s32 $0xFFFFC000  }
0x29: {  	[spmem:s3] =	stream.indirect.scatter.add.f32 [tilespmem:s15], [sflag:$0x1], $0x80, s19, s14, $0xb8;
	[tilespmem:$0x1DC00] =	vst v63  }
0x2a: {  	_ =	swait.ge [sflag:s11], $0x4000  }
0x2b: {  	[sflag:s11] =	ssyncset.done $0x0  }
.LBB2_3:
0x2c: {  	s16 =	sadd.s32 $0x1, s16  }
0x2d: {  	[sflag:s11] =	ssyncadd.s32 $0xFFFFC000;
	p0 =	sne.s32 s16, s10  }
.Ltmp2:
0x2e: {  	[bflag:$0x0] =	sbarrier.arrive $0xFFFF;
	(pc) =	sbr.rel @p0 .LBB2_1-.Ltmp2, $4  }
0x2f: {  	[hbm:s9], [sflag:s12] =	dma.local [spmem:s13], $0x2780  }
0x30: {  	_ =	swait.ge [sflag:s11], $0x2780  }
0x31: {  	[sflag:s11] =	ssyncset.done $0x0  }
0x32: {  	[sflag:s11] =	ssyncadd.s32 $0xFFFFD880  }
0x33: {  	_ =	sfence.sel $0x180000  }
0x34: {  	[bflag:$0x0] =	sbarrier.arrive $0xFFFF  }
0x35: {  	p0 =	sne.s32 s2, $0x0;
	_ =	strace $0x90000047  }
0x36: {  	s0 =	sadd.s32 @!p0 $0x100000, s0;
	[bflag:$0x2] =	sbarrier.arrive $0xFFFF  }
0x37: {  	[sflag:s0] =	ssyncadd.tile.s32 @!p0 $0x1;
	_ =	shalt  }
.Lfunc_end2:
_tile_overlayer_lowered:
.L_overlay_start_2:
0x38: {  	(tag) =	ssettag $0x2  }
0x39: {  	s0 =	rddreg [dreg:$0x0];
	s2 =	stileid.u32  }
0x3a: {  	s1 =	rddreg [dreg:$0x1];
	p0 =	sne.s32 s2, $0x0  }
0x3b: {  	s3 =	rddreg [dreg:$0x2];
	[bflag:$0x3] =	sbarrier.arrive $0xFFFF;
	s2 =	simm.s32 @!p0 $0x1C01  }
0x3c: {  	[timem:s3], [sflag:s2] =	dma.local @!p0 [hbm:s0], s1  }
0x3d: {  	s0 =	simm.s32 @!p0 $0x1  }
0x3e: {  	_ =	swait.ge @!p0 [sflag:s0], s1  }
0x3f: {  	s1 =	ssub.s32 @!p0 $0x0, s1;
	[sflag:s0] =	ssyncset.done @!p0 $0x0  }
0x40: {  	[sflag:s0] =	ssyncadd.s32 @!p0 s1  }
0x41: {  	[bflag:$0x3] =	sbarrier.arrive $0xFFFF  }
0x42: {  	_ =	shalt  }

</sc_bundles>
